<compile_context>
chip_gen: v7x
topology: tpu7x:2x2x1
jax: 0.10.2.dev20260603
libtpu: 0.0.44.dev20260713+nightly
codegen_flags: <defaults>
</compile_context>

<pallas_src>
import functools

import jax
import jax.numpy as jnp
import numpy as np
from jax import lax
from jax.experimental import pallas as pl
from jax.experimental.pallas import tpu as pltpu
from jax.experimental.pallas import tpu_sc as plsc

_HI_MASK = np.int32(np.uint32(0xFFFF0000))


def _build_sc_kernel(S, M2, Qnu, Q1, P):
    info = plsc.get_sparse_core_info()
    NC, NS, L = info.num_cores, info.num_subcores, info.num_lanes
    NW = NC * NS
    assert S % NW == 0 and S // NW % 2 == 0 and P % L == 0
    SPW = S // NW
    NCHUNK = P // L
    CU = 4
    assert NCHUNK % CU == 0

    mesh = plsc.VectorSubcoreMesh(core_axis_name="c", subcore_axis_name="s")

    @functools.partial(
        pl.kernel,
        mesh=mesh,
        out_type=jax.ShapeDtypeStruct((S * P,), jnp.float32),
        compiler_params=pltpu.CompilerParams(
            use_tc_tiling_on_sc=False, needs_layout_passes=False
        ),
        scratch_types=[
            pltpu.VMEM((P,), jnp.int32),
            pltpu.VMEM((M2 * Qnu,), jnp.int32),
            pltpu.VMEM((M2 * Qnu,), jnp.int32),
            pltpu.VMEM((M2 * Q1,), jnp.int32),
            pltpu.VMEM((M2 * Q1,), jnp.int32),
            pltpu.VMEM((P,), jnp.float32),
            pltpu.VMEM((P,), jnp.float32),
            pltpu.VMEM((L,), jnp.float32),
            pltpu.SemaphoreType.DMA,
            pltpu.SemaphoreType.DMA,
            pltpu.SemaphoreType.DMA,
            pltpu.SemaphoreType.DMA,
        ],
    )
    def sc_kernel(vnu_hbm, v1_hbm, sel_hbm, cg_hbm, out_hbm,
                  sel_v, vnu_a, vnu_b, v1_a, v1_b, out_a, out_b,
                  cg_v, isem_a, isem_b, osem_a, osem_b):
        wid = lax.axis_index("s") * NC + lax.axis_index("c")
        base = wid * SPW
        pltpu.sync_copy(sel_hbm, sel_v)
        pltpu.sync_copy(cg_hbm, cg_v)
        cgv = cg_v[...]

        bufs = [(vnu_a, v1_a, out_a, isem_a, osem_a),
                (vnu_b, v1_b, out_b, isem_b, osem_b)]

        WNU = M2 * Qnu
        W1 = M2 * Q1

        def start_in(s, b):
            vnu_v, v1_v, _, isem, _ = bufs[b]
            pltpu.async_copy(vnu_hbm.at[pl.ds(s * WNU, WNU)], vnu_v, isem)
            pltpu.async_copy(v1_hbm.at[pl.ds(s * W1, W1)], v1_v, isem)

        def wait_in(s, b):
            vnu_v, v1_v, _, isem, _ = bufs[b]
            pltpu.make_async_copy(
                vnu_hbm.at[pl.ds(s * WNU, WNU)], vnu_v, isem).wait()
            pltpu.make_async_copy(
                v1_hbm.at[pl.ds(s * W1, W1)], v1_v, isem).wait()

        def start_out(s, b):
            _, _, out_v, _, osem = bufs[b]
            pltpu.async_copy(out_v, out_hbm.at[pl.ds(s * P, P)], osem)

        def wait_out(s, b):
            _, _, out_v, _, osem = bufs[b]
            pltpu.make_async_copy(
                out_v, out_hbm.at[pl.ds(s * P, P)], osem).wait()

        def unpack2(w):
            lo = plsc.bitcast(w << 16, jnp.float32)
            hi = plsc.bitcast(w & _HI_MASK, jnp.float32)
            return lo, hi

        def compute(b):
            vnu_v, v1_v, out_v, _, _ = bufs[b]

            @plsc.parallel_loop(0, NCHUNK, unroll=CU)
            def chunk_loop(c):
                off = c * L
                sel_w = sel_v[pl.ds(off, L)]
                qnu_idx = sel_w & 0xFFFF
                q1_idx = lax.shift_right_logical(sel_w, 16)
                acc0 = None
                acc1 = None
                for m2 in range(M2):
                    wnu = plsc.load_gather(
                        vnu_v.at[pl.ds(m2 * Qnu, Qnu)], [qnu_idx])
                    w1 = plsc.load_gather(
                        v1_v.at[pl.ds(m2 * Q1, Q1)], [q1_idx])
                    lnu, hnu = unpack2(wnu)
                    l1, h1 = unpack2(w1)
                    if acc0 is None:
                        acc0 = lnu * l1
                        acc1 = hnu * h1
                    else:
                        acc0 = acc0 + lnu * l1
                        acc1 = acc1 + hnu * h1
                out_v[pl.ds(off, L)] = (acc0 + acc1) * cgv

        start_in(base, 0)

        @pl.loop(0, SPW, step=2)
        def sample_loop(i):
            s0 = base + i
            s1 = s0 + 1
            start_in(s1, 1)
            wait_in(s0, 0)

            @pl.when(i > 0)
            def _():
                wait_out(s0 - 2, 0)
            compute(0)
            start_out(s0, 0)

            @pl.when(i + 2 < SPW)
            def _():
                start_in(s0 + 2, 0)
            wait_in(s1, 1)

            @pl.when(i > 0)
            def _():
                wait_out(s1 - 2, 1)
            compute(1)
            start_out(s1, 1)

        wait_out(base + SPW - 2, 0)
        wait_out(base + SPW - 1, 1)

    return sc_kernel


def _pack_pairs(v, M2):
    S, M, Q = v.shape
    bits = jax.lax.bitcast_convert_type(v, jnp.int32)
    if 2 * M2 != M:
        bits = jnp.concatenate(
            [bits, jnp.zeros((S, 2 * M2 - M, Q), jnp.int32)], axis=1)
    even = bits[:, 0::2, :]
    odd = bits[:, 1::2, :]
    lo = lax.shift_right_logical(even + 0x8000, 16)
    hi = (odd + 0x8000) & _HI_MASK
    return (lo | hi).reshape(S * M2 * Q)


def kernel(values_nu, values_1, sel_nu, sel_1, l):
    S, M, Qnu = values_nu.shape
    Q1 = values_1.shape[2]
    P = sel_nu.shape[0]
    M2 = (M + 1) // 2
    cg = 1.0 / jnp.sqrt(2.0 * jnp.float32(l) + 1.0)
    cg_vec = jnp.full((16,), cg, dtype=jnp.float32)
    sel_pack = sel_nu | (sel_1 << 16)
    sc = _build_sc_kernel(S, M2, Qnu, Q1, P)
    out_flat = sc(_pack_pairs(values_nu, M2), _pack_pairs(values_1, M2),
                  sel_pack, cg_vec)
    return out_flat.reshape(S, P)

# --- scband reference (transcript-rebuilt; emitter-appended) ---
"""Pipeline reference for scband-leinvariant-calculator-16767552324129 (READ-ONLY COPY).

The authoritative reference and input builder live on the scoring server;
editing this copy changes nothing except your own understanding.
"""

import jax, jax.numpy as jnp
import numpy as np


def setup_inputs(seed: int = 0) -> dict:
    key = jax.random.key(seed)
    k1, k2, k3, k4 = jax.random.split(key, 4)
    S, M, Qnu, Q1, P = 1024, 9, 512, 128, 4096
    values_nu = jax.random.normal(k1, (S, M, Qnu), dtype=jnp.float32)
    values_1 = jax.random.normal(k2, (S, M, Q1), dtype=jnp.float32)
    sel_nu = jax.random.randint(k3, (P,), 0, Qnu, dtype=jnp.int32)
    sel_1 = jax.random.randint(k4, (P,), 0, Q1, dtype=jnp.int32)
    return {"values_nu": values_nu, "values_1": values_1, "sel_nu": sel_nu, "sel_1": sel_1, "l": 4}


def reference(values_nu, values_1, sel_nu, sel_1, l):
    # Core per-(a_i, l) kernel of LEInvariantCalculator.forward:
    # data[:, slice] = cg * sum_m block_nu.values[:, m, sel[:,0]] * block_1.values[:, m, sel[:,1]]
    # where sel holds the precomputed (q_nu, q_1) pairs surviving the eigenvalue/parity cuts
    # and cg = 1/sqrt(2l+1) is the l,l -> 0 Clebsch-Gordan coefficient.
    cg = 1.0 / jnp.sqrt(2.0 * l + 1.0)
    gathered_nu = jnp.take(values_nu, sel_nu, axis=2)  # [S, M, P]
    gathered_1 = jnp.take(values_1, sel_1, axis=2)    # [S, M, P]
    data = cg * jnp.sum(gathered_nu * gathered_1, axis=1)  # [S, P]
    return data

if __name__ == "__main__":
    import jax
    _d = setup_inputs()
    print(jax.jit(kernel)(*tuple(_d.values())))

</pallas_src>

<mosaic_0001>
#map = affine_map<(d0, d1) -> (0)>
module attributes {stable_mosaic.version = 14 : i64} {
  func.func @sc_kernel(%arg0: i32, %arg1: i32, %arg2: memref<2621440xi32, #tpu.memory_space<hbm>>, %arg3: memref<655360xi32, #tpu.memory_space<hbm>>, %arg4: memref<4096xi32, #tpu.memory_space<hbm>>, %arg5: memref<16xf32, #tpu.memory_space<hbm>>, %arg6: memref<4194304xf32, #tpu.memory_space<hbm>>, %arg7: memref<4096xi32, #tpu.memory_space<vmem>>, %arg8: memref<2560xi32, #tpu.memory_space<vmem>>, %arg9: memref<2560xi32, #tpu.memory_space<vmem>>, %arg10: memref<640xi32, #tpu.memory_space<vmem>>, %arg11: memref<640xi32, #tpu.memory_space<vmem>>, %arg12: memref<4096xf32, #tpu.memory_space<vmem>>, %arg13: memref<4096xf32, #tpu.memory_space<vmem>>, %arg14: memref<16xf32, #tpu.memory_space<vmem>>, %arg15: memref<!tpu.dma_semaphore, #tpu.memory_space<semaphore_mem>>, %arg16: memref<!tpu.dma_semaphore, #tpu.memory_space<semaphore_mem>>, %arg17: memref<!tpu.dma_semaphore, #tpu.memory_space<semaphore_mem>>, %arg18: memref<!tpu.dma_semaphore, #tpu.memory_space<semaphore_mem>>) attributes {dimension_semantics = [#tpu.dimension_semantics<core_parallel>, #tpu.dimension_semantics<subcore_parallel>], iteration_bounds = array<i64: 2, 16>, scalar_prefetch = 0 : i64, scratch_operands = 12 : i64, tpu.core_type = #tpu.core_type<sc_vector_subcore>, window_params = [{transform_indices = #map}, {transform_indices = #map}, {transform_indices = #map}, {transform_indices = #map}, {transform_indices = #map}]} {
    %mul3A = arith.constant 2 : i32
    %mul3A_0 = arith.muli %arg1, %mul3A : i32
    %add3A = arith.addi %mul3A_0, %arg0 : i32
    %mul3A_1 = arith.constant 32 : i32
    %mul3A_2 = arith.muli %add3A, %mul3A_1 : i32
    "tpu.region"() ({
      %run_scoped3A = tpu.sem_alloc : memref<!tpu.dma_semaphore, #tpu.memory_space<semaphore_mem>>
      tpu.enqueue_dma source(%arg4 : memref<4096xi32, #tpu.memory_space<hbm>>) target(%arg7 : memref<4096xi32, #tpu.memory_space<vmem>>) target_semaphore(%run_scoped3A : memref<!tpu.dma_semaphore, #tpu.memory_space<semaphore_mem>>)
      tpu.wait_dma2 semaphore(%run_scoped3A : memref<!tpu.dma_semaphore, #tpu.memory_space<semaphore_mem>>) src(%arg4 : memref<4096xi32, #tpu.memory_space<hbm>>) dst(%arg7 : memref<4096xi32, #tpu.memory_space<vmem>>)
      tpu.yield
    }) : () -> ()
    "tpu.region"() ({
      %run_scoped3A = tpu.sem_alloc : memref<!tpu.dma_semaphore, #tpu.memory_space<semaphore_mem>>
      tpu.enqueue_dma source(%arg5 : memref<16xf32, #tpu.memory_space<hbm>>) target(%arg14 : memref<16xf32, #tpu.memory_space<vmem>>) target_semaphore(%run_scoped3A : memref<!tpu.dma_semaphore, #tpu.memory_space<semaphore_mem>>)
      tpu.wait_dma2 semaphore(%run_scoped3A : memref<!tpu.dma_semaphore, #tpu.memory_space<semaphore_mem>>) src(%arg5 : memref<16xf32, #tpu.memory_space<hbm>>) dst(%arg14 : memref<16xf32, #tpu.memory_space<vmem>>)
      tpu.yield
    }) : () -> ()
    %get3A = arith.constant 0 : index
    %get3A_3 = tpu.vector_load %arg14[%get3A] {strides = array<i32>} : memref<16xf32, #tpu.memory_space<vmem>>, vector<16xf32>,
    %mul3A_4 = arith.constant 2560 : i32
    %mul3A_5 = arith.muli %mul3A_2, %mul3A_4 : i32
    %dma_start3A = tpu.memref_slice %arg2[%mul3A_5] : memref<2621440xi32, #tpu.memory_space<hbm>> -> memref<2560xi32, #tpu.memory_space<hbm>>
    %dma_start3A_6 = tpu.memref_slice %arg2[%mul3A_5] : memref<2621440xi32, #tpu.memory_space<hbm>> -> memref<2560xi32, #tpu.memory_space<hbm>>
    tpu.enqueue_dma source(%dma_start3A_6 : memref<2560xi32, #tpu.memory_space<hbm>>) target(%arg8 : memref<2560xi32, #tpu.memory_space<vmem>>) target_semaphore(%arg15 : memref<!tpu.dma_semaphore, #tpu.memory_space<semaphore_mem>>)
    %mul3A_7 = arith.constant 640 : i32
    %mul3A_8 = arith.muli %mul3A_2, %mul3A_7 : i32
    %dma_start3A_9 = tpu.memref_slice %arg3[%mul3A_8] : memref<655360xi32, #tpu.memory_space<hbm>> -> memref<640xi32, #tpu.memory_space<hbm>>
    %dma_start3A_10 = tpu.memref_slice %arg3[%mul3A_8] : memref<655360xi32, #tpu.memory_space<hbm>> -> memref<640xi32, #tpu.memory_space<hbm>>
    tpu.enqueue_dma source(%dma_start3A_10 : memref<640xi32, #tpu.memory_space<hbm>>) target(%arg10 : memref<640xi32, #tpu.memory_space<vmem>>) target_semaphore(%arg15 : memref<!tpu.dma_semaphore, #tpu.memory_space<semaphore_mem>>)
    %scan3A = arith.constant 0 : i32
    %scan3A_11 = arith.constant 16 : i32
    %scan3A_12 = arith.addi %scan3A, %scan3A_11 : i32
    %scan3A_13 = arith.constant 1 : i32
    scf.for %scan3A_29 = %scan3A to %scan3A_12 step %scan3A_13  : i32 {
      %mul3A_30 = arith.constant 2 : i32
      %mul3A_31 = arith.muli %scan3A_29, %mul3A_30 : i32
      %add3A_32 = arith.constant 0 : i32
      %add3A_33 = arith.addi %add3A_32, %mul3A_31 : i32
      %add3A_34 = arith.addi %mul3A_2, %add3A_33 : i32
      %add3A_35 = arith.constant 1 : i32
      %add3A_36 = arith.addi %add3A_34, %add3A_35 : i32
      %mul3A_37 = arith.constant 2560 : i32
      %mul3A_38 = arith.muli %add3A_36, %mul3A_37 : i32
      %dma_start3A_39 = tpu.memref_slice %arg2[%mul3A_38] : memref<2621440xi32, #tpu.memory_space<hbm>> -> memref<2560xi32, #tpu.memory_space<hbm>>
      %dma_start3A_40 = tpu.memref_slice %arg2[%mul3A_38] : memref<2621440xi32, #tpu.memory_space<hbm>> -> memref<2560xi32, #tpu.memory_space<hbm>>
      tpu.enqueue_dma source(%dma_start3A_40 : memref<2560xi32, #tpu.memory_space<hbm>>) target(%arg9 : memref<2560xi32, #tpu.memory_space<vmem>>) target_semaphore(%arg16 : memref<!tpu.dma_semaphore, #tpu.memory_space<semaphore_mem>>)
      %mul3A_41 = arith.constant 640 : i32
      %mul3A_42 = arith.muli %add3A_36, %mul3A_41 : i32
      %dma_start3A_43 = tpu.memref_slice %arg3[%mul3A_42] : memref<655360xi32, #tpu.memory_space<hbm>> -> memref<640xi32, #tpu.memory_space<hbm>>
      %dma_start3A_44 = tpu.memref_slice %arg3[%mul3A_42] : memref<655360xi32, #tpu.memory_space<hbm>> -> memref<640xi32, #tpu.memory_space<hbm>>
      tpu.enqueue_dma source(%dma_start3A_44 : memref<640xi32, #tpu.memory_space<hbm>>) target(%arg11 : memref<640xi32, #tpu.memory_space<vmem>>) target_semaphore(%arg16 : memref<!tpu.dma_semaphore, #tpu.memory_space<semaphore_mem>>)
      %mul3A_45 = arith.constant 2560 : i32
      %mul3A_46 = arith.muli %add3A_34, %mul3A_45 : i32
      %dma_wait3A_47 = tpu.memref_slice %arg2[%mul3A_46] : memref<2621440xi32, #tpu.memory_space<hbm>> -> memref<2560xi32, #tpu.memory_space<hbm>>
      %dma_wait3A_48 = tpu.memref_slice %arg2[%mul3A_46] : memref<2621440xi32, #tpu.memory_space<hbm>> -> memref<2560xi32, #tpu.memory_space<hbm>>
      tpu.wait_dma2 semaphore(%arg15 : memref<!tpu.dma_semaphore, #tpu.memory_space<semaphore_mem>>) src(%dma_wait3A_48 : memref<2560xi32, #tpu.memory_space<hbm>>) dst(%arg8 : memref<2560xi32, #tpu.memory_space<vmem>>)
      %mul3A_49 = arith.constant 640 : i32
      %mul3A_50 = arith.muli %add3A_34, %mul3A_49 : i32
      %dma_wait3A_51 = tpu.memref_slice %arg3[%mul3A_50] : memref<655360xi32, #tpu.memory_space<hbm>> -> memref<640xi32, #tpu.memory_space<hbm>>
      %dma_wait3A_52 = tpu.memref_slice %arg3[%mul3A_50] : memref<655360xi32, #tpu.memory_space<hbm>> -> memref<640xi32, #tpu.memory_space<hbm>>
      tpu.wait_dma2 semaphore(%arg15 : memref<!tpu.dma_semaphore, #tpu.memory_space<semaphore_mem>>) src(%dma_wait3A_52 : memref<640xi32, #tpu.memory_space<hbm>>) dst(%arg10 : memref<640xi32, #tpu.memory_space<vmem>>)
      %gt3A = arith.constant 0 : i32
      %gt3A_53 = arith.cmpi sgt, %add3A_33, %gt3A : i32
      %convert_element_type3A = arith.extui %gt3A_53 : i1 to i32
      %cond3A = arith.constant 0 : i32
      %cond3A_54 = arith.cmpi ne, %convert_element_type3A, %cond3A : i32
      scf.if %cond3A_54 {
        %sub3A_87 = arith.constant 2 : i32
        %sub3A_88 = arith.subi %add3A_34, %sub3A_87 : i32
        %mul3A_89 = arith.constant 4096 : i32
        %mul3A_90 = arith.muli %sub3A_88, %mul3A_89 : i32
        %dma_wait3A_91 = tpu.memref_slice %arg6[%mul3A_90] : memref<4194304xf32, #tpu.memory_space<hbm>> -> memref<4096xf32, #tpu.memory_space<hbm>>
        %dma_wait3A_92 = tpu.memref_slice %arg6[%mul3A_90] : memref<4194304xf32, #tpu.memory_space<hbm>> -> memref<4096xf32, #tpu.memory_space<hbm>>
        tpu.wait_dma2 semaphore(%arg17 : memref<!tpu.dma_semaphore, #tpu.memory_space<semaphore_mem>>) src(%arg12 : memref<4096xf32, #tpu.memory_space<vmem>>) dst(%dma_wait3A_92 : memref<4096xf32, #tpu.memory_space<hbm>>)
      } else {
      }
      %parallel_loop3A = arith.constant 0 : i32
      %parallel_loop3A_55 = arith.constant 256 : i32
      %parallel_loop3A_56 = arith.constant 1 : i32
      scf.for %parallel_loop3A_87 = %parallel_loop3A to %parallel_loop3A_55 step %parallel_loop3A_56  : i32 {
        %parallel_loop3A_88 = arith.constant 16 : i32
        %parallel_loop3A_89 = arith.muli %parallel_loop3A_87, %parallel_loop3A_88 : i32
        %parallel_loop3A_90 = arith.index_cast %parallel_loop3A_89 : i32 to index
        %parallel_loop3A_91 = tpu.vector_load %arg7[%parallel_loop3A_90] {strides = array<i32>} : memref<4096xi32, #tpu.memory_space<vmem>>, vector<16xi32>,
        %parallel_loop3A_92 = arith.constant 65535 : i32
        %parallel_loop3A_93 = vector.broadcast %parallel_loop3A_92 : i32 to vector<16xi32>
        %parallel_loop3A_94 = arith.andi %parallel_loop3A_91, %parallel_loop3A_93 : vector<16xi32>
        %parallel_loop3A_95 = arith.constant 16 : i32
        %parallel_loop3A_96 = vector.broadcast %parallel_loop3A_95 : i32 to vector<16xi32>
        %parallel_loop3A_97 = arith.shrui %parallel_loop3A_91, %parallel_loop3A_96 : vector<16xi32>
        %parallel_loop3A_98 = arith.constant 0 : i32
        %parallel_loop3A_99 = tpu.memref_slice %arg8[%parallel_loop3A_98] : memref<2560xi32, #tpu.memory_space<vmem>> -> memref<512xi32, #tpu.memory_space<vmem>>
        %parallel_loop3A_100 = tpu.vector_load_idx %parallel_loop3A_99[%parallel_loop3A_94] : memref<512xi32, #tpu.memory_space<vmem>>[vector<16xi32>], vector<16xi32>,
        %parallel_loop3A_101 = arith.constant 0 : i32
        %parallel_loop3A_102 = tpu.memref_slice %arg10[%parallel_loop3A_101] : memref<640xi32, #tpu.memory_space<vmem>> -> memref<128xi32, #tpu.memory_space<vmem>>
        %parallel_loop3A_103 = tpu.vector_load_idx %parallel_loop3A_102[%parallel_loop3A_97] : memref<128xi32, #tpu.memory_space<vmem>>[vector<16xi32>], vector<16xi32>,
        %parallel_loop3A_104 = arith.constant 16 : i32
        %parallel_loop3A_105 = vector.broadcast %parallel_loop3A_104 : i32 to vector<16xi32>
        %parallel_loop3A_106 = arith.shli %parallel_loop3A_100, %parallel_loop3A_105 : vector<16xi32>
        %parallel_loop3A_107 = vector.bitcast %parallel_loop3A_106 : vector<16xi32> to vector<16xf32>
        %parallel_loop3A_108 = arith.constant -65536 : i32
        %parallel_loop3A_109 = vector.broadcast %parallel_loop3A_108 : i32 to vector<16xi32>
        %parallel_loop3A_110 = arith.andi %parallel_loop3A_100, %parallel_loop3A_109 : vector<16xi32>
        %parallel_loop3A_111 = vector.bitcast %parallel_loop3A_110 : vector<16xi32> to vector<16xf32>
        %parallel_loop3A_112 = arith.constant 16 : i32
        %parallel_loop3A_113 = vector.broadcast %parallel_loop3A_112 : i32 to vector<16xi32>
        %parallel_loop3A_114 = arith.shli %parallel_loop3A_103, %parallel_loop3A_113 : vector<16xi32>
        %parallel_loop3A_115 = vector.bitcast %parallel_loop3A_114 : vector<16xi32> to vector<16xf32>
        %parallel_loop3A_116 = arith.constant -65536 : i32
        %parallel_loop3A_117 = vector.broadcast %parallel_loop3A_116 : i32 to vector<16xi32>
        %parallel_loop3A_118 = arith.andi %parallel_loop3A_103, %parallel_loop3A_117 : vector<16xi32>
        %parallel_loop3A_119 = vector.bitcast %parallel_loop3A_118 : vector<16xi32> to vector<16xf32>
        %parallel_loop3A_120 = arith.mulf %parallel_loop3A_107, %parallel_loop3A_115 : vector<16xf32>
        %parallel_loop3A_121 = arith.mulf %parallel_loop3A_111, %parallel_loop3A_119 : vector<16xf32>
        %parallel_loop3A_122 = arith.constant 512 : i32
        %parallel_loop3A_123 = tpu.memref_slice %arg8[%parallel_loop3A_122] : memref<2560xi32, #tpu.memory_space<vmem>> -> memref<512xi32, #tpu.memory_space<vmem>>
        %parallel_loop3A_124 = tpu.vector_load_idx %parallel_loop3A_123[%parallel_loop3A_94] : memref<512xi32, #tpu.memory_space<vmem>>[vector<16xi32>], vector<16xi32>,
        %parallel_loop3A_125 = arith.constant 128 : i32
        %parallel_loop3A_126 = tpu.memref_slice %arg10[%parallel_loop3A_125] : memref<640xi32, #tpu.memory_space<vmem>> -> memref<128xi32, #tpu.memory_space<vmem>>
        %parallel_loop3A_127 = tpu.vector_load_idx %parallel_loop3A_126[%parallel_loop3A_97] : memref<128xi32, #tpu.memory_space<vmem>>[vector<16xi32>], vector<16xi32>,
        %parallel_loop3A_128 = arith.constant 16 : i32
        %parallel_loop3A_129 = vector.broadcast %parallel_loop3A_128 : i32 to vector<16xi32>
        %parallel_loop3A_130 = arith.shli %parallel_loop3A_124, %parallel_loop3A_129 : vector<16xi32>
        %parallel_loop3A_131 = vector.bitcast %parallel_loop3A_130 : vector<16xi32> to vector<16xf32>
        %parallel_loop3A_132 = arith.constant -65536 : i32
        %parallel_loop3A_133 = vector.broadcast %parallel_loop3A_132 : i32 to vector<16xi32>
        %parallel_loop3A_134 = arith.andi %parallel_loop3A_124, %parallel_loop3A_133 : vector<16xi32>
        %parallel_loop3A_135 = vector.bitcast %parallel_loop3A_134 : vector<16xi32> to vector<16xf32>
        %parallel_loop3A_136 = arith.constant 16 : i32
        %parallel_loop3A_137 = vector.broadcast %parallel_loop3A_136 : i32 to vector<16xi32>
        %parallel_loop3A_138 = arith.shli %parallel_loop3A_127, %parallel_loop3A_137 : vector<16xi32>
        %parallel_loop3A_139 = vector.bitcast %parallel_loop3A_138 : vector<16xi32> to vector<16xf32>
        %parallel_loop3A_140 = arith.constant -65536 : i32
        %parallel_loop3A_141 = vector.broadcast %parallel_loop3A_140 : i32 to vector<16xi32>
        %parallel_loop3A_142 = arith.andi %parallel_loop3A_127, %parallel_loop3A_141 : vector<16xi32>
        %parallel_loop3A_143 = vector.bitcast %parallel_loop3A_142 : vector<16xi32> to vector<16xf32>
        %parallel_loop3A_144 = arith.mulf %parallel_loop3A_131, %parallel_loop3A_139 : vector<16xf32>
        %parallel_loop3A_145 = arith.addf %parallel_loop3A_120, %parallel_loop3A_144 : vector<16xf32>
        %parallel_loop3A_146 = arith.mulf %parallel_loop3A_135, %parallel_loop3A_143 : vector<16xf32>
        %parallel_loop3A_147 = arith.addf %parallel_loop3A_121, %parallel_loop3A_146 : vector<16xf32>
        %parallel_loop3A_148 = arith.constant 1024 : i32
        %parallel_loop3A_149 = tpu.memref_slice %arg8[%parallel_loop3A_148] : memref<2560xi32, #tpu.memory_space<vmem>> -> memref<512xi32, #tpu.memory_space<vmem>>
        %parallel_loop3A_150 = tpu.vector_load_idx %parallel_loop3A_149[%parallel_loop3A_94] : memref<512xi32, #tpu.memory_space<vmem>>[vector<16xi32>], vector<16xi32>,
        %parallel_loop3A_151 = arith.constant 256 : i32
        %parallel_loop3A_152 = tpu.memref_slice %arg10[%parallel_loop3A_151] : memref<640xi32, #tpu.memory_space<vmem>> -> memref<128xi32, #tpu.memory_space<vmem>>
        %parallel_loop3A_153 = tpu.vector_load_idx %parallel_loop3A_152[%parallel_loop3A_97] : memref<128xi32, #tpu.memory_space<vmem>>[vector<16xi32>], vector<16xi32>,
        %parallel_loop3A_154 = arith.constant 16 : i32
        %parallel_loop3A_155 = vector.broadcast %parallel_loop3A_154 : i32 to vector<16xi32>
        %parallel_loop3A_156 = arith.shli %parallel_loop3A_150, %parallel_loop3A_155 : vector<16xi32>
        %parallel_loop3A_157 = vector.bitcast %parallel_loop3A_156 : vector<16xi32> to vector<16xf32>
        %parallel_loop3A_158 = arith.constant -65536 : i32
        %parallel_loop3A_159 = vector.broadcast %parallel_loop3A_158 : i32 to vector<16xi32>
        %parallel_loop3A_160 = arith.andi %parallel_loop3A_150, %parallel_loop3A_159 : vector<16xi32>
        %parallel_loop3A_161 = vector.bitcast %parallel_loop3A_160 : vector<16xi32> to vector<16xf32>
        %parallel_loop3A_162 = arith.constant 16 : i32
        %parallel_loop3A_163 = vector.broadcast %parallel_loop3A_162 : i32 to vector<16xi32>
        %parallel_loop3A_164 = arith.shli %parallel_loop3A_153, %parallel_loop3A_163 : vector<16xi32>
        %parallel_loop3A_165 = vector.bitcast %parallel_loop3A_164 : vector<16xi32> to vector<16xf32>
        %parallel_loop3A_166 = arith.constant -65536 : i32
        %parallel_loop3A_167 = vector.broadcast %parallel_loop3A_166 : i32 to vector<16xi32>
        %parallel_loop3A_168 = arith.andi %parallel_loop3A_153, %parallel_loop3A_167 : vector<16xi32>
        %parallel_loop3A_169 = vector.bitcast %parallel_loop3A_168 : vector<16xi32> to vector<16xf32>
        %parallel_loop3A_170 = arith.mulf %parallel_loop3A_157, %parallel_loop3A_165 : vector<16xf32>
        %parallel_loop3A_171 = arith.addf %parallel_loop3A_145, %parallel_loop3A_170 : vector<16xf32>
        %parallel_loop3A_172 = arith.mulf %parallel_loop3A_161, %parallel_loop3A_169 : vector<16xf32>
        %parallel_loop3A_173 = arith.addf %parallel_loop3A_147, %parallel_loop3A_172 : vector<16xf32>
        %parallel_loop3A_174 = arith.constant 1536 : i32
        %parallel_loop3A_175 = tpu.memref_slice %arg8[%parallel_loop3A_174] : memref<2560xi32, #tpu.memory_space<vmem>> -> memref<512xi32, #tpu.memory_space<vmem>>
        %parallel_loop3A_176 = tpu.vector_load_idx %parallel_loop3A_175[%parallel_loop3A_94] : memref<512xi32, #tpu.memory_space<vmem>>[vector<16xi32>], vector<16xi32>,
        %parallel_loop3A_177 = arith.constant 384 : i32
        %parallel_loop3A_178 = tpu.memref_slice %arg10[%parallel_loop3A_177] : memref<640xi32, #tpu.memory_space<vmem>> -> memref<128xi32, #tpu.memory_space<vmem>>
        %parallel_loop3A_179 = tpu.vector_load_idx %parallel_loop3A_178[%parallel_loop3A_97] : memref<128xi32, #tpu.memory_space<vmem>>[vector<16xi32>], vector<16xi32>,
        %parallel_loop3A_180 = arith.constant 16 : i32
        %parallel_loop3A_181 = vector.broadcast %parallel_loop3A_180 : i32 to vector<16xi32>
        %parallel_loop3A_182 = arith.shli %parallel_loop3A_176, %parallel_loop3A_181 : vector<16xi32>
        %parallel_loop3A_183 = vector.bitcast %parallel_loop3A_182 : vector<16xi32> to vector<16xf32>
        %parallel_loop3A_184 = arith.constant -65536 : i32
        %parallel_loop3A_185 = vector.broadcast %parallel_loop3A_184 : i32 to vector<16xi32>
        %parallel_loop3A_186 = arith.andi %parallel_loop3A_176, %parallel_loop3A_185 : vector<16xi32>
        %parallel_loop3A_187 = vector.bitcast %parallel_loop3A_186 : vector<16xi32> to vector<16xf32>
        %parallel_loop3A_188 = arith.constant 16 : i32
        %parallel_loop3A_189 = vector.broadcast %parallel_loop3A_188 : i32 to vector<16xi32>
        %parallel_loop3A_190 = arith.shli %parallel_loop3A_179, %parallel_loop3A_189 : vector<16xi32>
        %parallel_loop3A_191 = vector.bitcast %parallel_loop3A_190 : vector<16xi32> to vector<16xf32>
        %parallel_loop3A_192 = arith.constant -65536 : i32
        %parallel_loop3A_193 = vector.broadcast %parallel_loop3A_192 : i32 to vector<16xi32>
        %parallel_loop3A_194 = arith.andi %parallel_loop3A_179, %parallel_loop3A_193 : vector<16xi32>
        %parallel_loop3A_195 = vector.bitcast %parallel_loop3A_194 : vector<16xi32> to vector<16xf32>
        %parallel_loop3A_196 = arith.mulf %parallel_loop3A_183, %parallel_loop3A_191 : vector<16xf32>
        %parallel_loop3A_197 = arith.addf %parallel_loop3A_171, %parallel_loop3A_196 : vector<16xf32>
        %parallel_loop3A_198 = arith.mulf %parallel_loop3A_187, %parallel_loop3A_195 : vector<16xf32>
        %parallel_loop3A_199 = arith.addf %parallel_loop3A_173, %parallel_loop3A_198 : vector<16xf32>
        %parallel_loop3A_200 = arith.constant 2048 : i32
        %parallel_loop3A_201 = tpu.memref_slice %arg8[%parallel_loop3A_200] : memref<2560xi32, #tpu.memory_space<vmem>> -> memref<512xi32, #tpu.memory_space<vmem>>
        %parallel_loop3A_202 = tpu.vector_load_idx %parallel_loop3A_201[%parallel_loop3A_94] : memref<512xi32, #tpu.memory_space<vmem>>[vector<16xi32>], vector<16xi32>,
        %parallel_loop3A_203 = arith.constant 512 : i32
        %parallel_loop3A_204 = tpu.memref_slice %arg10[%parallel_loop3A_203] : memref<640xi32, #tpu.memory_space<vmem>> -> memref<128xi32, #tpu.memory_space<vmem>>
        %parallel_loop3A_205 = tpu.vector_load_idx %parallel_loop3A_204[%parallel_loop3A_97] : memref<128xi32, #tpu.memory_space<vmem>>[vector<16xi32>], vector<16xi32>,
        %parallel_loop3A_206 = arith.constant 16 : i32
        %parallel_loop3A_207 = vector.broadcast %parallel_loop3A_206 : i32 to vector<16xi32>
        %parallel_loop3A_208 = arith.shli %parallel_loop3A_202, %parallel_loop3A_207 : vector<16xi32>
        %parallel_loop3A_209 = vector.bitcast %parallel_loop3A_208 : vector<16xi32> to vector<16xf32>
        %parallel_loop3A_210 = arith.constant -65536 : i32
        %parallel_loop3A_211 = vector.broadcast %parallel_loop3A_210 : i32 to vector<16xi32>
        %parallel_loop3A_212 = arith.andi %parallel_loop3A_202, %parallel_loop3A_211 : vector<16xi32>
        %parallel_loop3A_213 = vector.bitcast %parallel_loop3A_212 : vector<16xi32> to vector<16xf32>
        %parallel_loop3A_214 = arith.constant 16 : i32
        %parallel_loop3A_215 = vector.broadcast %parallel_loop3A_214 : i32 to vector<16xi32>
        %parallel_loop3A_216 = arith.shli %parallel_loop3A_205, %parallel_loop3A_215 : vector<16xi32>
        %parallel_loop3A_217 = vector.bitcast %parallel_loop3A_216 : vector<16xi32> to vector<16xf32>
        %parallel_loop3A_218 = arith.constant -65536 : i32
        %parallel_loop3A_219 = vector.broadcast %parallel_loop3A_218 : i32 to vector<16xi32>
        %parallel_loop3A_220 = arith.andi %parallel_loop3A_205, %parallel_loop3A_219 : vector<16xi32>
        %parallel_loop3A_221 = vector.bitcast %parallel_loop3A_220 : vector<16xi32> to vector<16xf32>
        %parallel_loop3A_222 = arith.mulf %parallel_loop3A_209, %parallel_loop3A_217 : vector<16xf32>
        %parallel_loop3A_223 = arith.addf %parallel_loop3A_197, %parallel_loop3A_222 : vector<16xf32>
        %parallel_loop3A_224 = arith.mulf %parallel_loop3A_213, %parallel_loop3A_221 : vector<16xf32>
        %parallel_loop3A_225 = arith.addf %parallel_loop3A_199, %parallel_loop3A_224 : vector<16xf32>
        %parallel_loop3A_226 = arith.addf %parallel_loop3A_223, %parallel_loop3A_225 : vector<16xf32>
        %parallel_loop3A_227 = arith.mulf %parallel_loop3A_226, %get3A_3 : vector<16xf32>
        %parallel_loop3A_228 = arith.index_cast %parallel_loop3A_89 : i32 to index
        %parallel_loop3A_229 = tpu.vector_load %arg12[%parallel_loop3A_228] {strides = array<i32>} : memref<4096xf32, #tpu.memory_space<vmem>>, vector<16xf32>,
        tpu.vector_store %arg12[%parallel_loop3A_228], %parallel_loop3A_227 {strides = array<i32>} : memref<4096xf32, #tpu.memory_space<vmem>>, vector<16xf32>,
      } {sc.loop_unroll_factor = 4 : i64, sc.parallel_access}
      %mul3A_57 = arith.constant 4096 : i32
      %mul3A_58 = arith.muli %add3A_34, %mul3A_57 : i32
      %dma_start3A_59 = tpu.memref_slice %arg6[%mul3A_58] : memref<4194304xf32, #tpu.memory_space<hbm>> -> memref<4096xf32, #tpu.memory_space<hbm>>
      %dma_start3A_60 = tpu.memref_slice %arg6[%mul3A_58] : memref<4194304xf32, #tpu.memory_space<hbm>> -> memref<4096xf32, #tpu.memory_space<hbm>>
      tpu.enqueue_dma source(%arg12 : memref<4096xf32, #tpu.memory_space<vmem>>) target(%dma_start3A_60 : memref<4096xf32, #tpu.memory_space<hbm>>) target_semaphore(%arg17 : memref<!tpu.dma_semaphore, #tpu.memory_space<semaphore_mem>>)
      %add3A_61 = arith.constant 2 : i32
      %add3A_62 = arith.addi %add3A_33, %add3A_61 : i32
      %lt3A = arith.constant 32 : i32
      %lt3A_63 = arith.cmpi slt, %add3A_62, %lt3A : i32
      %convert_element_type3A_64 = arith.extui %lt3A_63 : i1 to i32
      %cond3A_65 = arith.constant 0 : i32
      %cond3A_66 = arith.cmpi ne, %convert_element_type3A_64, %cond3A_65 : i32
      scf.if %cond3A_66 {
        %add3A_87 = arith.constant 2 : i32
        %add3A_88 = arith.addi %add3A_34, %add3A_87 : i32
        %mul3A_89 = arith.constant 2560 : i32
        %mul3A_90 = arith.muli %add3A_88, %mul3A_89 : i32
        %dma_start3A_91 = tpu.memref_slice %arg2[%mul3A_90] : memref<2621440xi32, #tpu.memory_space<hbm>> -> memref<2560xi32, #tpu.memory_space<hbm>>
        %dma_start3A_92 = tpu.memref_slice %arg2[%mul3A_90] : memref<2621440xi32, #tpu.memory_space<hbm>> -> memref<2560xi32, #tpu.memory_space<hbm>>
        tpu.enqueue_dma source(%dma_start3A_92 : memref<2560xi32, #tpu.memory_space<hbm>>) target(%arg8 : memref<2560xi32, #tpu.memory_space<vmem>>) target_semaphore(%arg15 : memref<!tpu.dma_semaphore, #tpu.memory_space<semaphore_mem>>)
        %mul3A_93 = arith.constant 640 : i32
        %mul3A_94 = arith.muli %add3A_88, %mul3A_93 : i32
        %dma_start3A_95 = tpu.memref_slice %arg3[%mul3A_94] : memref<655360xi32, #tpu.memory_space<hbm>> -> memref<640xi32, #tpu.memory_space<hbm>>
        %dma_start3A_96 = tpu.memref_slice %arg3[%mul3A_94] : memref<655360xi32, #tpu.memory_space<hbm>> -> memref<640xi32, #tpu.memory_space<hbm>>
        tpu.enqueue_dma source(%dma_start3A_96 : memref<640xi32, #tpu.memory_space<hbm>>) target(%arg10 : memref<640xi32, #tpu.memory_space<vmem>>) target_semaphore(%arg15 : memref<!tpu.dma_semaphore, #tpu.memory_space<semaphore_mem>>)
      } else {
      }
      %mul3A_67 = arith.constant 2560 : i32
      %mul3A_68 = arith.muli %add3A_36, %mul3A_67 : i32
      %dma_wait3A_69 = tpu.memref_slice %arg2[%mul3A_68] : memref<2621440xi32, #tpu.memory_space<hbm>> -> memref<2560xi32, #tpu.memory_space<hbm>>
      %dma_wait3A_70 = tpu.memref_slice %arg2[%mul3A_68] : memref<2621440xi32, #tpu.memory_space<hbm>> -> memref<2560xi32, #tpu.memory_space<hbm>>
      tpu.wait_dma2 semaphore(%arg16 : memref<!tpu.dma_semaphore, #tpu.memory_space<semaphore_mem>>) src(%dma_wait3A_70 : memref<2560xi32, #tpu.memory_space<hbm>>) dst(%arg9 : memref<2560xi32, #tpu.memory_space<vmem>>)
      %mul3A_71 = arith.constant 640 : i32
      %mul3A_72 = arith.muli %add3A_36, %mul3A_71 : i32
      %dma_wait3A_73 = tpu.memref_slice %arg3[%mul3A_72] : memref<655360xi32, #tpu.memory_space<hbm>> -> memref<640xi32, #tpu.memory_space<hbm>>
      %dma_wait3A_74 = tpu.memref_slice %arg3[%mul3A_72] : memref<655360xi32, #tpu.memory_space<hbm>> -> memref<640xi32, #tpu.memory_space<hbm>>
      tpu.wait_dma2 semaphore(%arg16 : memref<!tpu.dma_semaphore, #tpu.memory_space<semaphore_mem>>) src(%dma_wait3A_74 : memref<640xi32, #tpu.memory_space<hbm>>) dst(%arg11 : memref<640xi32, #tpu.memory_space<vmem>>)
      %gt3A_75 = arith.constant 0 : i32
      %gt3A_76 = arith.cmpi sgt, %add3A_33, %gt3A_75 : i32
      %convert_element_type3A_77 = arith.extui %gt3A_76 : i1 to i32
      %cond3A_78 = arith.constant 0 : i32
      %cond3A_79 = arith.cmpi ne, %convert_element_type3A_77, %cond3A_78 : i32
      scf.if %cond3A_79 {
        %sub3A_87 = arith.constant 2 : i32
        %sub3A_88 = arith.subi %add3A_36, %sub3A_87 : i32
        %mul3A_89 = arith.constant 4096 : i32
        %mul3A_90 = arith.muli %sub3A_88, %mul3A_89 : i32
        %dma_wait3A_91 = tpu.memref_slice %arg6[%mul3A_90] : memref<4194304xf32, #tpu.memory_space<hbm>> -> memref<4096xf32, #tpu.memory_space<hbm>>
        %dma_wait3A_92 = tpu.memref_slice %arg6[%mul3A_90] : memref<4194304xf32, #tpu.memory_space<hbm>> -> memref<4096xf32, #tpu.memory_space<hbm>>
        tpu.wait_dma2 semaphore(%arg18 : memref<!tpu.dma_semaphore, #tpu.memory_space<semaphore_mem>>) src(%arg13 : memref<4096xf32, #tpu.memory_space<vmem>>) dst(%dma_wait3A_92 : memref<4096xf32, #tpu.memory_space<hbm>>)
      } else {
      }
      %parallel_loop3A_80 = arith.constant 0 : i32
      %parallel_loop3A_81 = arith.constant 256 : i32
      %parallel_loop3A_82 = arith.constant 1 : i32
      scf.for %parallel_loop3A_87 = %parallel_loop3A_80 to %parallel_loop3A_81 step %parallel_loop3A_82  : i32 {
        %parallel_loop3A_88 = arith.constant 16 : i32
        %parallel_loop3A_89 = arith.muli %parallel_loop3A_87, %parallel_loop3A_88 : i32
        %parallel_loop3A_90 = arith.index_cast %parallel_loop3A_89 : i32 to index
        %parallel_loop3A_91 = tpu.vector_load %arg7[%parallel_loop3A_90] {strides = array<i32>} : memref<4096xi32, #tpu.memory_space<vmem>>, vector<16xi32>,
        %parallel_loop3A_92 = arith.constant 65535 : i32
        %parallel_loop3A_93 = vector.broadcast %parallel_loop3A_92 : i32 to vector<16xi32>
        %parallel_loop3A_94 = arith.andi %parallel_loop3A_91, %parallel_loop3A_93 : vector<16xi32>
        %parallel_loop3A_95 = arith.constant 16 : i32
        %parallel_loop3A_96 = vector.broadcast %parallel_loop3A_95 : i32 to vector<16xi32>
        %parallel_loop3A_97 = arith.shrui %parallel_loop3A_91, %parallel_loop3A_96 : vector<16xi32>
        %parallel_loop3A_98 = arith.constant 0 : i32
        %parallel_loop3A_99 = tpu.memref_slice %arg9[%parallel_loop3A_98] : memref<2560xi32, #tpu.memory_space<vmem>> -> memref<512xi32, #tpu.memory_space<vmem>>
        %parallel_loop3A_100 = tpu.vector_load_idx %parallel_loop3A_99[%parallel_loop3A_94] : memref<512xi32, #tpu.memory_space<vmem>>[vector<16xi32>], vector<16xi32>,
        %parallel_loop3A_101 = arith.constant 0 : i32
        %parallel_loop3A_102 = tpu.memref_slice %arg11[%parallel_loop3A_101] : memref<640xi32, #tpu.memory_space<vmem>> -> memref<128xi32, #tpu.memory_space<vmem>>
        %parallel_loop3A_103 = tpu.vector_load_idx %parallel_loop3A_102[%parallel_loop3A_97] : memref<128xi32, #tpu.memory_space<vmem>>[vector<16xi32>], vector<16xi32>,
        %parallel_loop3A_104 = arith.constant 16 : i32
        %parallel_loop3A_105 = vector.broadcast %parallel_loop3A_104 : i32 to vector<16xi32>
        %parallel_loop3A_106 = arith.shli %parallel_loop3A_100, %parallel_loop3A_105 : vector<16xi32>
        %parallel_loop3A_107 = vector.bitcast %parallel_loop3A_106 : vector<16xi32> to vector<16xf32>
        %parallel_loop3A_108 = arith.constant -65536 : i32
        %parallel_loop3A_109 = vector.broadcast %parallel_loop3A_108 : i32 to vector<16xi32>
        %parallel_loop3A_110 = arith.andi %parallel_loop3A_100, %parallel_loop3A_109 : vector<16xi32>
        %parallel_loop3A_111 = vector.bitcast %parallel_loop3A_110 : vector<16xi32> to vector<16xf32>
        %parallel_loop3A_112 = arith.constant 16 : i32
        %parallel_loop3A_113 = vector.broadcast %parallel_loop3A_112 : i32 to vector<16xi32>
        %parallel_loop3A_114 = arith.shli %parallel_loop3A_103, %parallel_loop3A_113 : vector<16xi32>
        %parallel_loop3A_115 = vector.bitcast %parallel_loop3A_114 : vector<16xi32> to vector<16xf32>
        %parallel_loop3A_116 = arith.constant -65536 : i32
        %parallel_loop3A_117 = vector.broadcast %parallel_loop3A_116 : i32 to vector<16xi32>
        %parallel_loop3A_118 = arith.andi %parallel_loop3A_103, %parallel_loop3A_117 : vector<16xi32>
        %parallel_loop3A_119 = vector.bitcast %parallel_loop3A_118 : vector<16xi32> to vector<16xf32>
        %parallel_loop3A_120 = arith.mulf %parallel_loop3A_107, %parallel_loop3A_115 : vector<16xf32>
        %parallel_loop3A_121 = arith.mulf %parallel_loop3A_111, %parallel_loop3A_119 : vector<16xf32>
        %parallel_loop3A_122 = arith.constant 512 : i32
        %parallel_loop3A_123 = tpu.memref_slice %arg9[%parallel_loop3A_122] : memref<2560xi32, #tpu.memory_space<vmem>> -> memref<512xi32, #tpu.memory_space<vmem>>
        %parallel_loop3A_124 = tpu.vector_load_idx %parallel_loop3A_123[%parallel_loop3A_94] : memref<512xi32, #tpu.memory_space<vmem>>[vector<16xi32>], vector<16xi32>,
        %parallel_loop3A_125 = arith.constant 128 : i32
        %parallel_loop3A_126 = tpu.memref_slice %arg11[%parallel_loop3A_125] : memref<640xi32, #tpu.memory_space<vmem>> -> memref<128xi32, #tpu.memory_space<vmem>>
        %parallel_loop3A_127 = tpu.vector_load_idx %parallel_loop3A_126[%parallel_loop3A_97] : memref<128xi32, #tpu.memory_space<vmem>>[vector<16xi32>], vector<16xi32>,
        %parallel_loop3A_128 = arith.constant 16 : i32
        %parallel_loop3A_129 = vector.broadcast %parallel_loop3A_128 : i32 to vector<16xi32>
        %parallel_loop3A_130 = arith.shli %parallel_loop3A_124, %parallel_loop3A_129 : vector<16xi32>
        %parallel_loop3A_131 = vector.bitcast %parallel_loop3A_130 : vector<16xi32> to vector<16xf32>
        %parallel_loop3A_132 = arith.constant -65536 : i32
        %parallel_loop3A_133 = vector.broadcast %parallel_loop3A_132 : i32 to vector<16xi32>
        %parallel_loop3A_134 = arith.andi %parallel_loop3A_124, %parallel_loop3A_133 : vector<16xi32>
        %parallel_loop3A_135 = vector.bitcast %parallel_loop3A_134 : vector<16xi32> to vector<16xf32>
        %parallel_loop3A_136 = arith.constant 16 : i32
        %parallel_loop3A_137 = vector.broadcast %parallel_loop3A_136 : i32 to vector<16xi32>
        %parallel_loop3A_138 = arith.shli %parallel_loop3A_127, %parallel_loop3A_137 : vector<16xi32>
        %parallel_loop3A_139 = vector.bitcast %parallel_loop3A_138 : vector<16xi32> to vector<16xf32>
        %parallel_loop3A_140 = arith.constant -65536 : i32
        %parallel_loop3A_141 = vector.broadcast %parallel_loop3A_140 : i32 to vector<16xi32>
        %parallel_loop3A_142 = arith.andi %parallel_loop3A_127, %parallel_loop3A_141 : vector<16xi32>
        %parallel_loop3A_143 = vector.bitcast %parallel_loop3A_142 : vector<16xi32> to vector<16xf32>
        %parallel_loop3A_144 = arith.mulf %parallel_loop3A_131, %parallel_loop3A_139 : vector<16xf32>
        %parallel_loop3A_145 = arith.addf %parallel_loop3A_120, %parallel_loop3A_144 : vector<16xf32>
        %parallel_loop3A_146 = arith.mulf %parallel_loop3A_135, %parallel_loop3A_143 : vector<16xf32>
        %parallel_loop3A_147 = arith.addf %parallel_loop3A_121, %parallel_loop3A_146 : vector<16xf32>
        %parallel_loop3A_148 = arith.constant 1024 : i32
        %parallel_loop3A_149 = tpu.memref_slice %arg9[%parallel_loop3A_148] : memref<2560xi32, #tpu.memory_space<vmem>> -> memref<512xi32, #tpu.memory_space<vmem>>
        %parallel_loop3A_150 = tpu.vector_load_idx %parallel_loop3A_149[%parallel_loop3A_94] : memref<512xi32, #tpu.memory_space<vmem>>[vector<16xi32>], vector<16xi32>,
        %parallel_loop3A_151 = arith.constant 256 : i32
        %parallel_loop3A_152 = tpu.memref_slice %arg11[%parallel_loop3A_151] : memref<640xi32, #tpu.memory_space<vmem>> -> memref<128xi32, #tpu.memory_space<vmem>>
        %parallel_loop3A_153 = tpu.vector_load_idx %parallel_loop3A_152[%parallel_loop3A_97] : memref<128xi32, #tpu.memory_space<vmem>>[vector<16xi32>], vector<16xi32>,
        %parallel_loop3A_154 = arith.constant 16 : i32
        %parallel_loop3A_155 = vector.broadcast %parallel_loop3A_154 : i32 to vector<16xi32>
        %parallel_loop3A_156 = arith.shli %parallel_loop3A_150, %parallel_loop3A_155 : vector<16xi32>
        %parallel_loop3A_157 = vector.bitcast %parallel_loop3A_156 : vector<16xi32> to vector<16xf32>
        %parallel_loop3A_158 = arith.constant -65536 : i32
        %parallel_loop3A_159 = vector.broadcast %parallel_loop3A_158 : i32 to vector<16xi32>
        %parallel_loop3A_160 = arith.andi %parallel_loop3A_150, %parallel_loop3A_159 : vector<16xi32>
        %parallel_loop3A_161 = vector.bitcast %parallel_loop3A_160 : vector<16xi32> to vector<16xf32>
        %parallel_loop3A_162 = arith.constant 16 : i32
        %parallel_loop3A_163 = vector.broadcast %parallel_loop3A_162 : i32 to vector<16xi32>
        %parallel_loop3A_164 = arith.shli %parallel_loop3A_153, %parallel_loop3A_163 : vector<16xi32>
        %parallel_loop3A_165 = vector.bitcast %parallel_loop3A_164 : vector<16xi32> to vector<16xf32>
        %parallel_loop3A_166 = arith.constant -65536 : i32
        %parallel_loop3A_167 = vector.broadcast %parallel_loop3A_166 : i32 to vector<16xi32>
        %parallel_loop3A_168 = arith.andi %parallel_loop3A_153, %parallel_loop3A_167 : vector<16xi32>
        %parallel_loop3A_169 = vector.bitcast %parallel_loop3A_168 : vector<16xi32> to vector<16xf32>
        %parallel_loop3A_170 = arith.mulf %parallel_loop3A_157, %parallel_loop3A_165 : vector<16xf32>
        %parallel_loop3A_171 = arith.addf %parallel_loop3A_145, %parallel_loop3A_170 : vector<16xf32>
        %parallel_loop3A_172 = arith.mulf %parallel_loop3A_161, %parallel_loop3A_169 : vector<16xf32>
        %parallel_loop3A_173 = arith.addf %parallel_loop3A_147, %parallel_loop3A_172 : vector<16xf32>
        %parallel_loop3A_174 = arith.constant 1536 : i32
        %parallel_loop3A_175 = tpu.memref_slice %arg9[%parallel_loop3A_174] : memref<2560xi32, #tpu.memory_space<vmem>> -> memref<512xi32, #tpu.memory_space<vmem>>
        %parallel_loop3A_176 = tpu.vector_load_idx %parallel_loop3A_175[%parallel_loop3A_94] : memref<512xi32, #tpu.memory_space<vmem>>[vector<16xi32>], vector<16xi32>,
        %parallel_loop3A_177 = arith.constant 384 : i32
        %parallel_loop3A_178 = tpu.memref_slice %arg11[%parallel_loop3A_177] : memref<640xi32, #tpu.memory_space<vmem>> -> memref<128xi32, #tpu.memory_space<vmem>>
        %parallel_loop3A_179 = tpu.vector_load_idx %parallel_loop3A_178[%parallel_loop3A_97] : memref<128xi32, #tpu.memory_space<vmem>>[vector<16xi32>], vector<16xi32>,
        %parallel_loop3A_180 = arith.constant 16 : i32
        %parallel_loop3A_181 = vector.broadcast %parallel_loop3A_180 : i32 to vector<16xi32>
        %parallel_loop3A_182 = arith.shli %parallel_loop3A_176, %parallel_loop3A_181 : vector<16xi32>
        %parallel_loop3A_183 = vector.bitcast %parallel_loop3A_182 : vector<16xi32> to vector<16xf32>
        %parallel_loop3A_184 = arith.constant -65536 : i32
        %parallel_loop3A_185 = vector.broadcast %parallel_loop3A_184 : i32 to vector<16xi32>
        %parallel_loop3A_186 = arith.andi %parallel_loop3A_176, %parallel_loop3A_185 : vector<16xi32>
        %parallel_loop3A_187 = vector.bitcast %parallel_loop3A_186 : vector<16xi32> to vector<16xf32>
        %parallel_loop3A_188 = arith.constant 16 : i32
        %parallel_loop3A_189 = vector.broadcast %parallel_loop3A_188 : i32 to vector<16xi32>
        %parallel_loop3A_190 = arith.shli %parallel_loop3A_179, %parallel_loop3A_189 : vector<16xi32>
        %parallel_loop3A_191 = vector.bitcast %parallel_loop3A_190 : vector<16xi32> to vector<16xf32>
        %parallel_loop3A_192 = arith.constant -65536 : i32
        %parallel_loop3A_193 = vector.broadcast %parallel_loop3A_192 : i32 to vector<16xi32>
        %parallel_loop3A_194 = arith.andi %parallel_loop3A_179, %parallel_loop3A_193 : vector<16xi32>
        %parallel_loop3A_195 = vector.bitcast %parallel_loop3A_194 : vector<16xi32> to vector<16xf32>
        %parallel_loop3A_196 = arith.mulf %parallel_loop3A_183, %parallel_loop3A_191 : vector<16xf32>
        %parallel_loop3A_197 = arith.addf %parallel_loop3A_171, %parallel_loop3A_196 : vector<16xf32>
        %parallel_loop3A_198 = arith.mulf %parallel_loop3A_187, %parallel_loop3A_195 : vector<16xf32>
        %parallel_loop3A_199 = arith.addf %parallel_loop3A_173, %parallel_loop3A_198 : vector<16xf32>
        %parallel_loop3A_200 = arith.constant 2048 : i32
        %parallel_loop3A_201 = tpu.memref_slice %arg9[%parallel_loop3A_200] : memref<2560xi32, #tpu.memory_space<vmem>> -> memref<512xi32, #tpu.memory_space<vmem>>
        %parallel_loop3A_202 = tpu.vector_load_idx %parallel_loop3A_201[%parallel_loop3A_94] : memref<512xi32, #tpu.memory_space<vmem>>[vector<16xi32>], vector<16xi32>,
        %parallel_loop3A_203 = arith.constant 512 : i32
        %parallel_loop3A_204 = tpu.memref_slice %arg11[%parallel_loop3A_203] : memref<640xi32, #tpu.memory_space<vmem>> -> memref<128xi32, #tpu.memory_space<vmem>>
        %parallel_loop3A_205 = tpu.vector_load_idx %parallel_loop3A_204[%parallel_loop3A_97] : memref<128xi32, #tpu.memory_space<vmem>>[vector<16xi32>], vector<16xi32>,
        %parallel_loop3A_206 = arith.constant 16 : i32
        %parallel_loop3A_207 = vector.broadcast %parallel_loop3A_206 : i32 to vector<16xi32>
        %parallel_loop3A_208 = arith.shli %parallel_loop3A_202, %parallel_loop3A_207 : vector<16xi32>
        %parallel_loop3A_209 = vector.bitcast %parallel_loop3A_208 : vector<16xi32> to vector<16xf32>
        %parallel_loop3A_210 = arith.constant -65536 : i32
        %parallel_loop3A_211 = vector.broadcast %parallel_loop3A_210 : i32 to vector<16xi32>
        %parallel_loop3A_212 = arith.andi %parallel_loop3A_202, %parallel_loop3A_211 : vector<16xi32>
        %parallel_loop3A_213 = vector.bitcast %parallel_loop3A_212 : vector<16xi32> to vector<16xf32>
        %parallel_loop3A_214 = arith.constant 16 : i32
        %parallel_loop3A_215 = vector.broadcast %parallel_loop3A_214 : i32 to vector<16xi32>
        %parallel_loop3A_216 = arith.shli %parallel_loop3A_205, %parallel_loop3A_215 : vector<16xi32>
        %parallel_loop3A_217 = vector.bitcast %parallel_loop3A_216 : vector<16xi32> to vector<16xf32>
        %parallel_loop3A_218 = arith.constant -65536 : i32
        %parallel_loop3A_219 = vector.broadcast %parallel_loop3A_218 : i32 to vector<16xi32>
        %parallel_loop3A_220 = arith.andi %parallel_loop3A_205, %parallel_loop3A_219 : vector<16xi32>
        %parallel_loop3A_221 = vector.bitcast %parallel_loop3A_220 : vector<16xi32> to vector<16xf32>
        %parallel_loop3A_222 = arith.mulf %parallel_loop3A_209, %parallel_loop3A_217 : vector<16xf32>
        %parallel_loop3A_223 = arith.addf %parallel_loop3A_197, %parallel_loop3A_222 : vector<16xf32>
        %parallel_loop3A_224 = arith.mulf %parallel_loop3A_213, %parallel_loop3A_221 : vector<16xf32>
        %parallel_loop3A_225 = arith.addf %parallel_loop3A_199, %parallel_loop3A_224 : vector<16xf32>
        %parallel_loop3A_226 = arith.addf %parallel_loop3A_223, %parallel_loop3A_225 : vector<16xf32>
        %parallel_loop3A_227 = arith.mulf %parallel_loop3A_226, %get3A_3 : vector<16xf32>
        %parallel_loop3A_228 = arith.index_cast %parallel_loop3A_89 : i32 to index
        %parallel_loop3A_229 = tpu.vector_load %arg13[%parallel_loop3A_228] {strides = array<i32>} : memref<4096xf32, #tpu.memory_space<vmem>>, vector<16xf32>,
        tpu.vector_store %arg13[%parallel_loop3A_228], %parallel_loop3A_227 {strides = array<i32>} : memref<4096xf32, #tpu.memory_space<vmem>>, vector<16xf32>,
      } {sc.loop_unroll_factor = 4 : i64, sc.parallel_access}
      %mul3A_83 = arith.constant 4096 : i32
      %mul3A_84 = arith.muli %add3A_36, %mul3A_83 : i32
      %dma_start3A_85 = tpu.memref_slice %arg6[%mul3A_84] : memref<4194304xf32, #tpu.memory_space<hbm>> -> memref<4096xf32, #tpu.memory_space<hbm>>
      %dma_start3A_86 = tpu.memref_slice %arg6[%mul3A_84] : memref<4194304xf32, #tpu.memory_space<hbm>> -> memref<4096xf32, #tpu.memory_space<hbm>>
      tpu.enqueue_dma source(%arg13 : memref<4096xf32, #tpu.memory_space<vmem>>) target(%dma_start3A_86 : memref<4096xf32, #tpu.memory_space<hbm>>) target_semaphore(%arg18 : memref<!tpu.dma_semaphore, #tpu.memory_space<semaphore_mem>>)
    }
    %scan3A_14 = arith.constant 16 : i32
    %add3A_15 = arith.constant 32 : i32
    %add3A_16 = arith.addi %mul3A_2, %add3A_15 : i32
    %sub3A = arith.constant 2 : i32
    %sub3A_17 = arith.subi %add3A_16, %sub3A : i32
    %mul3A_18 = arith.constant 4096 : i32
    %mul3A_19 = arith.muli %sub3A_17, %mul3A_18 : i32
    %dma_wait3A = tpu.memref_slice %arg6[%mul3A_19] : memref<4194304xf32, #tpu.memory_space<hbm>> -> memref<4096xf32, #tpu.memory_space<hbm>>
    %dma_wait3A_20 = tpu.memref_slice %arg6[%mul3A_19] : memref<4194304xf32, #tpu.memory_space<hbm>> -> memref<4096xf32, #tpu.memory_space<hbm>>
    tpu.wait_dma2 semaphore(%arg17 : memref<!tpu.dma_semaphore, #tpu.memory_space<semaphore_mem>>) src(%arg12 : memref<4096xf32, #tpu.memory_space<vmem>>) dst(%dma_wait3A_20 : memref<4096xf32, #tpu.memory_space<hbm>>)
    %add3A_21 = arith.constant 32 : i32
    %add3A_22 = arith.addi %mul3A_2, %add3A_21 : i32
    %sub3A_23 = arith.constant 1 : i32
    %sub3A_24 = arith.subi %add3A_22, %sub3A_23 : i32
    %mul3A_25 = arith.constant 4096 : i32
    %mul3A_26 = arith.muli %sub3A_24, %mul3A_25 : i32
    %dma_wait3A_27 = tpu.memref_slice %arg6[%mul3A_26] : memref<4194304xf32, #tpu.memory_space<hbm>> -> memref<4096xf32, #tpu.memory_space<hbm>>
    %dma_wait3A_28 = tpu.memref_slice %arg6[%mul3A_26] : memref<4194304xf32, #tpu.memory_space<hbm>> -> memref<4096xf32, #tpu.memory_space<hbm>>
    tpu.wait_dma2 semaphore(%arg18 : memref<!tpu.dma_semaphore, #tpu.memory_space<semaphore_mem>>) src(%arg13 : memref<4096xf32, #tpu.memory_space<vmem>>) dst(%dma_wait3A_28 : memref<4096xf32, #tpu.memory_space<hbm>>)
    return
  }
}

</mosaic_0001>

<sc_bundles>
// kernel: kernel.3.cloned.1.call-start
scs
__scs_entry_jumppad:
0x0: {  	(pc) =	sbr.rel $0x88, $3  }
0x1: {  	(tag) =	ssettag $0x0;
	lr =	simm.s32 $0x1  }
0x2: {  	[smem:$0x3F9C] =	sst lr;
	_ =	strace $0xD0000000  }
0x3: {  	_ = 	snop  }
0x4: {  	_ = 	snop  }
0x5: {  	_ = 	snop  }
0x6: {  	_ = 	snop  }
0x7: {  	_ = 	snop  }
__scs_overlays_trampoline_lowered:
0x8: {  	[smem:$0x3FAB] =	sst s0  }
0x9: {  	[smem:$0x3FAC] =	sst s1  }
0xa: {  	[smem:$0x3FAD] =	sst s2  }
0xb: {  	[smem:$0x3FAE] =	sst s3  }
0xc: {  	[smem:$0x3FAF] =	sst s4  }
0xd: {  	[smem:$0x3FB0] =	sst s5  }
0xe: {  	[smem:$0x3FB1] =	sst s6  }
0xf: {  	[smem:$0x3FB2] =	sst s7  }
0x10: {  	[smem:$0x3FB3] =	sst s8  }
0x11: {  	[smem:$0x3FB4] =	sst s9;
	s0 =	simm.s32 @!p0 $0x0  }
0x12: {  	s1 =	sld [smem:$0x3F9A];
	s0 =	simm.s32 @p0 $0x1  }
0x13: {  	[smem:$0x3FB5] =	sst s0;
	s0 =	simm.s32 @!p1 $0x0  }
0x14: {  	s2 =	sld [smem:$0x3F99];
	s0 =	simm.s32 @p1 $0x1  }
0x15: {  	[smem:$0x3FB6] =	sst s0;
	s0 =	simm.s32 @!p2 $0x0  }
0x16: {  	s3 =	sld [smem:$0x3FDB];
	s0 =	simm.s32 @p2 $0x1  }
0x17: {  	s4 =	simm.s32 $0x1BF5;
	[smem:$0x3FB8] =	sst s0  }
0x18: {  	s0 =	sld [smem:$0x3F9B];
	_ =	swait.ge [sflag:s4], $0x0  }
0x19: {  	s7 =	sld [smem:$0x3F9C]  }
0x1a: {  	s8 =	sadd.s32 $0xFFFFE003, lr  }
0x1b: {  	s9 =	sadd.s32 $0xFFFFFEF7, lr;
	s5 =	simm.s32 $0xFFFFFFFF;
	p2 =	slt.u32 s8, $0xFFFFF086  }
0x1c: {  	p1 =	slt.u32 s9, $0xF7A;
	s5 =	simm.s32 @!p2 $0x0  }
0x1d: {  	s5 =	simm.s32 @p1 $0x1;
	p0 =	seq.s32 s7, s2  }
0x1e: {  	s7 =	smul.u32 @!p0 $0xF7A, s2;
	p2 =	seq.s32 @!p0 s5, $0x0  }
0x1f: {  	s9 =	smul.u32 $0xF7A, s1;
	s8 =	simm.s32 @!p0 $0x1BF5;
	p2 =	por !p2, p0  }
0x20: {  	[sflag:s8] =	ssyncset.s32 @!p0 $0xFFFFF086;
	s6 =	sadd.s32 @!p0 s3, s7;
	s7 =	simm.s32 @!p0 $0x108  }
0x21: {  	s3 =	sadd.s32 s3, s9;
	s6 =	sadd.s32 @!p0 $0x88, s6;
	s7 =	simm.s32 @p2 $0x1082  }
0x22: {  	[simem:s7], [sflag:s8] =	dma.local @!p0 [hbm:s6], $0xF7A  }
0x23: {  	s9 =	sor.u32 $0xD0000000, s2;
	s6 =	simm.s32 $0x108;
	_ =	swait.ge @!p0 [sflag:s8], $0x0  }
0x24: {  	s3 =	sadd.s32 $0x88, s3;
	s6 =	simm.s32 @!p1 $0x1082;
	[sflag:s4] =	ssyncset.s32 $0xFFFFF086  }
0x25: {  	[simem:s6], [sflag:s4] =	dma.local [hbm:s3], $0xF7A  }
0x26: {  	[smem:$0x3F9C] =	sst s1;
	(tag) =	ssettag s2;
	_ =	strace s9  }
0x27: {  	s1 =	sld [smem:$0x3FAC]  }
0x28: {  	s2 =	sld [smem:$0x3FAD]  }
0x29: {  	s4 =	sld [smem:$0x3FAF]  }
0x2a: {  	p0 =	seq.s32 s5, $0x0;
	s5 =	sld [smem:$0x3FB0]  }
0x2b: {  	s6 =	sld [smem:$0x3FB1]  }
0x2c: {  	s7 =	sld [smem:$0x3FB2]  }
0x2d: {  	s3 =	simm.s32 $0x108;
	s8 =	sld [smem:$0x3FB3]  }
0x2e: {  	s3 =	simm.s32 @!p0 $0x1082;
	s9 =	sld [smem:$0x3FB4]  }
0x2f: {  	lr =	sadd.s32 s0, s3;
	s0 =	sld [smem:$0x3FAB]  }
0x30: {  	s3 =	sld [smem:$0x3FAE]  }
0x31: {  	[smem:$0x3FB7] =	sst s10  }
0x32: {  	s10 =	sld [smem:$0x3FB5];
	_ =	sdelay $0x3  }
0x33: {  	p0 =	seq.s32 s10, $0x1;
	s10 =	sld [smem:$0x3FB7];
	_ =	sdelay $0x3  }
0x34: {  	[smem:$0x3FB7] =	sst s10  }
0x35: {  	s10 =	sld [smem:$0x3FB6];
	_ =	sdelay $0x3  }
0x36: {  	p1 =	seq.s32 s10, $0x1;
	s10 =	sld [smem:$0x3FB7];
	_ =	sdelay $0x3  }
0x37: {  	[smem:$0x3FB7] =	sst s10  }
0x38: {  	s10 =	sld [smem:$0x3FB8]  }
0x39: {  	_ = 	snop;
	(pc) =	sbr.ind lr, $3  }
0x3a: {  	_ = 	snop  }
0x3b: {  	_ = 	snop  }
0x3c: {  	p2 =	seq.s32 s10, $0x1;
	s10 =	sld [smem:$0x3FB7]  }
0x3d: {  	_ =	shalt  }
0x3e: {  	_ =	shalt  }
0x3f: {  	_ =	shalt  }
0x40: {  	_ =	shalt  }
0x41: {  	_ =	shalt  }
0x42: {  	_ =	shalt  }
0x43: {  	_ =	shalt  }
0x44: {  	_ =	shalt  }
0x45: {  	_ =	shalt  }
0x46: {  	_ =	shalt  }
0x47: {  	_ =	shalt  }
0x48: {  	_ =	shalt  }
0x49: {  	_ =	shalt  }
0x4a: {  	_ =	shalt  }
0x4b: {  	_ =	shalt  }
0x4c: {  	_ =	shalt  }
0x4d: {  	_ =	shalt  }
0x4e: {  	_ =	shalt  }
0x4f: {  	_ =	shalt  }
0x50: {  	_ =	shalt  }
0x51: {  	_ =	shalt  }
0x52: {  	_ =	shalt  }
0x53: {  	_ =	shalt  }
0x54: {  	_ =	shalt  }
0x55: {  	_ =	shalt  }
0x56: {  	_ =	shalt  }
0x57: {  	_ =	shalt  }
0x58: {  	_ =	shalt  }
0x59: {  	_ =	shalt  }
0x5a: {  	_ =	shalt  }
0x5b: {  	_ =	shalt  }
0x5c: {  	_ =	shalt  }
0x5d: {  	_ =	shalt  }
0x5e: {  	_ =	shalt  }
0x5f: {  	_ =	shalt  }
0x60: {  	_ =	shalt  }
0x61: {  	_ =	shalt  }
0x62: {  	_ =	shalt  }
0x63: {  	_ =	shalt  }
0x64: {  	_ =	shalt  }
0x65: {  	_ =	shalt  }
0x66: {  	_ =	shalt  }
0x67: {  	_ =	shalt  }
0x68: {  	_ =	shalt  }
0x69: {  	_ =	shalt  }
0x6a: {  	_ =	shalt  }
0x6b: {  	_ =	shalt  }
0x6c: {  	_ =	shalt  }
0x6d: {  	_ =	shalt  }
0x6e: {  	_ =	shalt  }
0x6f: {  	_ =	shalt  }
0x70: {  	_ =	shalt  }
0x71: {  	_ =	shalt  }
0x72: {  	_ =	shalt  }
0x73: {  	_ =	shalt  }
0x74: {  	_ =	shalt  }
0x75: {  	_ =	shalt  }
0x76: {  	_ =	shalt  }
0x77: {  	_ =	shalt  }
0x78: {  	_ =	shalt  }
0x79: {  	_ =	shalt  }
0x7a: {  	_ =	shalt  }
0x7b: {  	_ =	shalt  }
0x7c: {  	_ =	shalt  }
0x7d: {  	_ =	shalt  }
0x7e: {  	_ =	shalt  }
0x7f: {  	_ =	shalt  }
0x80: {  	_ =	shalt  }
0x81: {  	_ =	shalt  }
0x82: {  	_ =	shalt  }
0x83: {  	_ =	shalt  }
0x84: {  	_ =	shalt  }
0x85: {  	_ =	shalt  }
0x86: {  	_ =	shalt  }
0x87: {  	_ =	shalt  }
.Lfunc_end0:
.L_simem_size_0:
called_computation_lowered:
.L_overlay_start_0:
0x88: {  	s2 =	sld [smem:$0x3FD9]  }
0x89: {  	s3 =	sld [smem:$0x3FFE];
	_ =	sdelay $0x1  }
0x8a: {  	s1 =	srdreg.scid  }
0x8b: {  	s0 =	sand.u32 $0x1, s1  }
0x8c: {  	s17 =	sshll.u32 s0, $0xA;
	s2 =	sadd.s32 s3, s2  }
0x8d: {  	s2 =	sadd.s32 s2, s17  }
0x8e: {  	[smem:$0x3FC3] =	sst s2  }
0x8f: {  	_ = 	snop  }
0x90: {  	s2 =	sld [smem:$0x3FD0];
	(tm) =	ssettm $0x1  }
0x91: {  	s18 =	sld [smem:$0x3FFB];
	_ =	sdelay $0x3  }
0x92: {  	_ =	strace s18  }
0x93: {  	s3 =	sld [smem:$0x3FFC];
	_ =	sdelay $0x3  }
0x94: {  	_ =	strace s3  }
0x95: {  	s3 =	sld [smem:$0x3FFD];
	_ =	sdelay $0x3  }
0x96: {  	_ =	strace s3  }
0x97: {  	_ =	strace $0x8FFFFFFF  }
0x98: {  	s19 =	sld [smem:$0x3FDB];
	_ =	sdelay $0x1  }
0x99: {  	s4 =	simm.s32 $_scs_section_size  }
0x9a: {  	s5 =	simm.s32 $_size__tile_overlayer_lowered;
	s6 =	simm.s32 $_tile_overlayer_lowered  }
0x9b: {  	s22 =	simm.s32 $0x1BFF;
	s21 =	sshll.u32 s6, $0x1;
	s3 =	sadd.s32 s4, s19  }
0x9c: {  	s7 =	simm.s32 $0x0;
	s20 =	sshll.u32 s5, $0x1;
	s5 =	sadd.s32 s21, s3  }
0x9d: {  	[timem:s7], [sflag:s22] =	dma.local [hbm:s5], s20  }
0x9e: {  	_ =	swait.ge [sflag:s22], s20  }
0x9f: {  	s4 =	ssub.s32 $0x0, s20;
	[sflag:s22] =	ssyncset.done $0x0  }
0xa0: {  	[sflag:s22] =	ssyncadd.s32 s4;
	_ =	sdelay $0x1  }
0xa1: {  	s23 =	simm.s32 $0x1B8B  }
0xa2: {  	_ =	swait.ge [sflag:s23], $0x1  }
0xa3: {  	[sflag:s23] =	ssyncset.done $0x0  }
0xa4: {  	s25 =	simm.s32 $0x1B8E;
	s24 =	sld [smem:$0x3FFE];
	[sflag:s23] =	ssyncadd.s32 $0xFFFFFFFF  }
0xa5: {  	s26 =	simm.s32 $execute0_lowered;
	[smem:$0x3FD2] =	sst s25  }
0xa6: {  	s5 =	sshll.u32 s26, $0x1;
	_ =	strace $0x80000046;
	[dreg:$0x1] =	wrdreg $0xFFFFFFFF  }
0xa7: {  	s28 =	simm.s32 $_size_execute0_lowered;
	s3 =	sadd.s32 s3, s5;
	[dreg:$0x0] =	wrdreg $0x0  }
0xa8: {  	s5 =	sshll.u32 s28, $0x1;
	[dreg:$0x2] =	wrdreg s3  }
0xa9: {  	[dreg:$0x3] =	wrdreg s5  }
0xaa: {  	[dreg:$0x4] =	wrdreg $0xC0  }
0xab: {  	_ =	task [dreg:s7], $0x5FFFF  }
0xac: {  	[dreg:$0x1] =	wrdreg $0xFFFFFFFF  }
0xad: {  	[dreg:$0x0] =	wrdreg $0x60  }
0xae: {  	[dreg:$0x2] =	wrdreg s2  }
0xaf: {  	[dreg:$0x3] =	wrdreg s24  }
0xb0: {  	[dreg:$0x4] =	wrdreg $0x9  }
0xb1: {  	_ =	task.clear_ibuf [dreg:s7], $0x5FFFF;
	_ =	strace $0x90000046  }
0xb2: {  	s29 =	simm.s32 $0x9;
	_ =	strace $0x80000048  }
0xb3: {  	_ =	swait.ge [sflag:s29], $0x1  }
0xb4: {  	[sflag:s29] =	ssyncadd.s32 $0xFFFFFFFF  }
0xb5: {  	_ =	strace $0x90000048  }
0xb6: {  	_ =	sfence  }
0xb7: {  	s30 =	sld [smem:$0x0];
	_ =	sdelay $0x2  }
0xb8: {  	s31 =	sshll.u32 s1, $0xD;
	s1 =	sshrl.u32 s1, $0x2  }
0xb9: {  	s3 =	sand.u32 $0x4000, s31;
	s1 =	sadd.s32 s1, s30  }
0xba: {  	s0 =	sor.u32 s3, s0;
	s1 =	sshll.u32 s1, $0x11  }
0xbb: {  	s0 =	sor.u32 s1, s0  }
0xbc: {  	s0 =	sadd.s32 $0x8F2B, s0  }
0xbd: {  	[sflag:s0] =	ssyncadd.remote.s32 $0x1  }
0xbe: {  	_ =	sfence.sel $0xFFFF  }
0xbf: {  	[dreg:$0x0] =	wrdreg $0xFFFFFFFF;
	(pc) =	sbr.abs _section_cstart, $3  }
0xc0: {  	[dreg:$0x1] =	wrdreg $0xFFFFFFFF  }
0xc1: {  	_ =	task.clear_ibuf [dreg:s7], $0x2FFFF;
	_ =	strace $0x9FFFFFFF  }
0xc2: {  	(tm) =	ssettm $0x7FFFFFFF  }
0xc3: {  	_ =	shalt  }
tec
execute0_lowered:
.L_overlay_start_1:
0x0: {  	(tag) =	ssettag $0x1  }
0x1: {  	s7 =	rddreg [dreg:$0x0]  }
0x2: {  	s0 =	rddreg [dreg:$0x1]  }
0x3: {  	s3 =	simm.s32 $0x0;
	s1 =	srdreg.scid;
	s2 =	stileid.u32  }
0x4: {  	s14 =	simm.s32 $0x1000;
	s15 =	simm.s32 $0x2400;
	s16 =	simm.s32 $0x1A00  }
0x5: {  	s17 =	simm.s32 $0x2680;
	s18 =	simm.s32 $0x1;
	s19 =	simm.s32 $0x1200  }
0x6: {  	s20 =	simm.s32 $0x2480;
	s21 =	simm.s32 $0x1400;
	s29 =	simm.s32 $0x2  }
0x7: {  	s30 =	simm.s32 $0x1C00;
	s31 =	simm.s32 $0x2700;
	s13 =	simm.s32 $0x2000  }
0x8: {  	[smem:$0x7FF] =	sst s3;
	s1 =	sand.u32 $0x1, s1;
	s2 =	sshll.u32 s2, $0x1  }
0x9: {  	s8 =	sadd.s32 $0xA00, s0;
	s5 =	sadd.s32 $0x14A00, s0;
	s9 =	sadd.s32 $0x14C00, s0  }
0xa: {  	s28 =	sadd.s32 $0x14E00, s0;
	_ =	strace $0x80000047;
	[dreg:$0x4] =	wrdreg s5  }
0xb: {  	s2 =	sor.u32 s1, s2;
	s1 =	ssub.s32 $0x2, s1;
	[dreg:$0x5] =	wrdreg s9  }
0xc: {  	[dreg:$0x3] =	wrdreg s8;
	s5 =	simm.s32 $0x2800;
	s4 =	smul.u32 $0x2800, s2  }
0xd: {  	s9 =	simm.s32 $0x2880;
	s22 =	sshrl.u32 s1, $0x1;
	s6 =	smul.u32 $0xA00, s2  }
0xe: {  	s24 =	sshll.u32 s2, $0x5;
	s2 =	simm.s32 $0x2780;
	s23 =	ssub.s32 s1, s22  }
0xf: {  	[dreg:$0x6] =	wrdreg s24;
	s22 =	simm.s32 $0x2500;
	s25 =	sadd.s32 s7, s4  }
0x10: {  	s24 =	simm.s32 $0x2580;
	s26 =	sadd.s32 s8, s6;
	[dreg:$0x7] =	wrdreg s25  }
0x11: {  	s0 =	smax.u32 s23, $0x1;
	s23 =	simm.s32 $0x1600;
	[dreg:$0x8] =	wrdreg s26  }
0x12: {  	s6 =	simm.s32 $0x2200;
	s7 =	simm.s32 $0x0;
	[dreg:$0x9] =	wrdreg s0  }
0x13: {  	s25 =	simm.s32 $0x1800;
	s26 =	simm.s32 $0x2600;
	s0 =	simm.s32 $0x1E00  }
.LBB2_1:
0x14: {  	[dreg:$0xa] =	wrdreg s7  }
0x15: {  	s1 =	rddreg [dreg:$0x4];
	s4 =	simm.s32 $0x5  }
0x16: {  	[tilespmem:s3], [sflag:$0x5] =	stream.linear.gather [hbm4b:s1+s3], $0x1000, $0x38;
	[tilespmem:$0x4910] =	vst v63  }
0x17: {  	_ =	swait.ge [sflag:s4], $0x1000  }
0x18: {  	[sflag:s4] =	ssyncset.done $0x0  }
0x19: {  	s10 =	simm.s32 $0x4900;
	s8 =	rddreg [dreg:$0x5];
	[sflag:s4] =	ssyncadd.s32 $0xFFFFF000  }
0x1a: {  	[tilespmem:s10], [sflag:$0x5] =	stream.linear.gather [hbm4b:s8+s3], $0x10, $0x38;
	[tilespmem:$0x4910] =	vst v63  }
0x1b: {  	_ =	swait.ge [sflag:s4], $0x10  }
0x1c: {  	[sflag:s4] =	ssyncset.done $0x0  }
0x1d: {  	s11 =	rddreg [dreg:$0x7];
	[sflag:s4] =	ssyncadd.s32 $0xFFFFFFF0  }
0x1e: {  	v0 =	vld [tilespmem:$0x4900];
	[tilespmem:s14], [sflag:$0x1] =	stream.linear.gather [hbm4b:s11+s3], $0xA00, $0x38  }
0x1f: {  	s12 =	rddreg [dreg:$0x8]  }
0x20: {  	[tilespmem:s15], [sflag:$0x1] =	stream.linear.gather [hbm4b:s12+s3], $0x280, $0x38;
	[tilespmem:$0x4910] =	vst v63  }
0x21: {  	s12 =	simm.s32 $0x0  }
.LBB2_2:
0x22: {  	s1 =	sshll.u32 s12, $0x1;
	s4 =	rddreg [dreg:$0x6]  }
0x23: {  	s3 =	smov.u32 s28;
	s28 =	sadd.s32 s4, s1  }
0x24: {  	s11 =	sor.u32 $0x1, s28  }
0x25: {  	s8 =	smul.u32 $0x140, s11  }
0x26: {  	s7 =	simm.s32 $0x0;
	s10 =	rddreg [dreg:$0x0]  }
0x27: {  	s1 =	sadd.s32 s10, s8;
	s8 =	smul.u32 $0x50, s11;
	s10 =	rddreg [dreg:$0x3]  }
0x28: {  	[tilespmem:s16], [sflag:$0x2] =	stream.linear.gather [hbm4b:s1+s7], $0xA00, $0x38;
	[tilespmem:$0x4910] =	vst v63  }
0x29: {  	s1 =	sadd.s32 s10, s8  }
0x2a: {  	[tilespmem:s17], [sflag:$0x2] =	stream.linear.gather [hbm4b:s1+s7], $0x280, $0x38;
	[tilespmem:$0x4910] =	vst v63  }
0x2b: {  	_ =	swait.ge [sflag:s18], $0xA00  }
0x2c: {  	[sflag:s18] =	ssyncset.done $0x0  }
0x2d: {  	[sflag:s18] =	ssyncadd.s32 $0xFFFFF600  }
0x2e: {  	_ =	swait.ge [sflag:s18], $0x280  }
0x2f: {  	p0 =	seq.s32 s12, $0x0;
	[sflag:s18] =	ssyncset.done $0x0  }
0x30: {  	s1 =	simm.s32 @!p0 $0x3;
	[sflag:s18] =	ssyncadd.s32 $0xFFFFFD80  }
0x31: {  	_ =	swait.ge @!p0 [sflag:s1], $0x1000  }
0x32: {  	[sflag:s1] =	ssyncset.done @!p0 $0x0  }
0x33: {  	s7 =	simm.s32 $0x20;
	[sflag:s1] =	ssyncadd.s32 @!p0 $0xFFFFF000  }
0x34: {  	v1 =	vld [tilespmem:s7+$0x10];
	_ =	sdelay $0x4  }
0x35: {  	v3 =	vand.u32 $0xFFFF, v1  }
0x36: {  	v6 =	vshrl.u32 v1, $0x10  }
0x37: {  	v5 =	vld [tilespmem:s7+$0x0]  }
0x38: {  	v7 =	vld [tilespmem:s7+$0xFFFFFFE0]  }
0x39: {  	v1 =	vld [tilespmem:s7+$0xFFFFFFF0]  }
0x3a: {  	v8 =	vld.idx.msk [tilespmem:v3+s25+$0x0], $0xffff  }
0x3b: {  	v9 =	vld.idx.msk [tilespmem:v6+s26+$0x0], $0xffff  }
0x3c: {  	v10 =	vld.idx.msk [tilespmem:v3+s23+$0x0], $0xffff  }
0x3d: {  	v11 =	vld.idx.msk [tilespmem:v6+s24+$0x0], $0xffff  }
0x3e: {  	v12 =	vld.idx.msk [tilespmem:v3+s21+$0x0], $0xffff  }
0x3f: {  	v13 =	vld.idx.msk [tilespmem:v3+s14+$0x0], $0xffff  }
0x40: {  	v14 =	vld.idx.msk [tilespmem:v6+s15+$0x0], $0xffff  }
0x41: {  	v2 =	vshrl.u32 v1, $0x10;
	v15 =	vld.idx.msk [tilespmem:v3+s19+$0x0], $0xffff;
	v4 =	vand.u32 $0xFFFF, v1  }
0x42: {  	v1 =	vshrl.u32 v5, $0x10;
	v3 =	vand.u32 $0xFFFF, v5;
	v16 =	vld.idx.msk [tilespmem:v6+s20+$0x0], $0xffff;
	v5 =	vshrl.u32 v7, $0x10  }
0x43: {  	v7 =	vand.u32 $0xFFFF, v7;
	v17 =	vshll.u32 v10, $0x10;
	v18 =	vshll.u32 v8, $0x10  }
0x44: {  	v19 =	vshll.u32 v9, $0x10;
	v20 =	vshll.u32 v13, $0x10;
	v21 =	vshll.u32 v12, $0x10  }
0x45: {  	v6 =	vld.idx.msk [tilespmem:v6+s22+$0x0], $0xffff;
	v22 =	vshll.u32 v11, $0x10;
	v13 =	vand.u32 $0xFFFF0000, v13;
	v23 =	vshll.u32 v14, $0x10  }
0x46: {  	v14 =	vand.u32 $0xFFFF0000, v14;
	v24 =	vshll.u32 v15, $0x10;
	v15 =	vand.u32 $0xFFFF0000, v15  }
0x47: {  	v25 =	vshll.u32 v16, $0x10;
	v12 =	vand.u32 $0xFFFF0000, v12;
	v10 =	vand.u32 $0xFFFF0000, v10  }
0x48: {  	v11 =	vand.u32 $0xFFFF0000, v11;
	v8 =	vand.u32 $0xFFFF0000, v8;
	v20 =	vmul.f32 v23, v20;
	v23 =	vld.idx.msk [tilespmem:v7+s14+$0x0], $0xffff  }
0x49: {  	v13 =	vmul.f32 v14, v13;
	v14 =	vand.u32 $0xFFFF0000, v16;
	v16 =	vmul.f32 v25, v24;
	v24 =	vld.idx.msk [tilespmem:v5+s15+$0x0], $0xffff  }
0x4a: {  	v25 =	vld.idx.msk [tilespmem:v7+s19+$0x0], $0xffff;
	v10 =	vmul.f32 v11, v10;
	v14 =	vmul.f32 v14, v15;
	v15 =	vshll.u32 v6, $0x10  }
0x4b: {  	v11 =	vld.idx.msk [tilespmem:v4+s19+$0x0], $0xffff;
	v6 =	vand.u32 $0xFFFF0000, v6;
	v15 =	vmul.f32 v15, v21;
	v16 =	vadd.f32 v16, v20  }
0x4c: {  	v9 =	vand.u32 $0xFFFF0000, v9;
	v6 =	vmul.f32 v6, v12;
	v13 =	vadd.f32 v14, v13  }
0x4d: {  	v8 =	vmul.f32 v9, v8;
	v20 =	vld.idx.msk [tilespmem:v5+s20+$0x0], $0xffff;
	v14 =	vmul.f32 v22, v17;
	v15 =	vadd.f32 v15, v16  }
0x4e: {  	v21 =	vld.idx.msk [tilespmem:v1+s15+$0x0], $0xffff;
	v6 =	vadd.f32 v6, v13;
	v13 =	vmul.f32 v19, v18;
	v9 =	vshll.u32 v23, $0x10  }
0x4f: {  	v27 =	vld.idx.msk [tilespmem:v7+s21+$0x0], $0xffff;
	v17 =	vand.u32 $0xFFFF0000, v23;
	v18 =	vshll.u32 v24, $0x10;
	v19 =	vand.u32 $0xFFFF0000, v24  }
0x50: {  	v12 =	vld.idx.msk [tilespmem:v4+s14+$0x0], $0xffff;
	v22 =	vand.u32 $0xFFFF0000, v25;
	v26 =	vshll.u32 v11, $0x10;
	v11 =	vand.u32 $0xFFFF0000, v11  }
0x51: {  	v24 =	vld.idx.msk [tilespmem:v1+s20+$0x0], $0xffff;
	v14 =	vadd.f32 v14, v15;
	v9 =	vmul.f32 v18, v9;
	v17 =	vmul.f32 v19, v17  }
0x52: {  	v16 =	vld.idx.msk [tilespmem:v2+s15+$0x0], $0xffff;
	v6 =	vadd.f32 v10, v6;
	v23 =	vshll.u32 v20, $0x10;
	v20 =	vand.u32 $0xFFFF0000, v20  }
0x53: {  	v15 =	vld.idx.msk [tilespmem:v2+s20+$0x0], $0xffff;
	v31 =	vshll.u32 v21, $0x10;
	v21 =	vand.u32 $0xFFFF0000, v21;
	v13 =	vadd.f32 v13, v14  }
0x54: {  	v10 =	vld.idx.msk [tilespmem:v3+s14+$0x0], $0xffff;
	v20 =	vmul.f32 v20, v22;
	v22 =	vshll.u32 v27, $0x10;
	v6 =	vadd.f32 v8, v6  }
0x55: {  	v29 =	vld.idx.msk [tilespmem:v5+s22+$0x0], $0xffff;
	v8 =	vshll.u32 v25, $0x10;
	v25 =	vshll.u32 v12, $0x10;
	v12 =	vand.u32 $0xFFFF0000, v12  }
0x56: {  	v34 =	vshll.u32 v24, $0x10;
	v19 =	vand.u32 $0xFFFF0000, v24;
	v8 =	vmul.f32 v23, v8  }
0x57: {  	v14 =	vld.idx.msk [tilespmem:v3+s19+$0x0], $0xffff;
	v24 =	vand.u32 $0xFFFF0000, v27;
	v17 =	vadd.f32 v20, v17;
	v6 =	vadd.f32 v6, v13  }
0x58: {  	v33 =	vld.idx.msk [tilespmem:v4+s21+$0x0], $0xffff;
	v13 =	vshll.u32 v16, $0x10;
	v16 =	vand.u32 $0xFFFF0000, v16;
	v28 =	vshll.u32 v15, $0x10  }
0x59: {  	v18 =	vld.idx.msk [tilespmem:v2+s22+$0x0], $0xffff;
	v15 =	vand.u32 $0xFFFF0000, v15;
	v30 =	vshll.u32 v10, $0x10;
	v10 =	vand.u32 $0xFFFF0000, v10  }
0x5a: {  	v13 =	vmul.f32 v13, v25;
	v12 =	vmul.f32 v16, v12;
	v16 =	vshll.u32 v29, $0x10  }
0x5b: {  	v25 =	vmul.f32 v28, v26;
	v11 =	vmul.f32 v15, v11;
	v15 =	vand.u32 $0xFFFF0000, v29  }
0x5c: {  	v23 =	vld.idx.msk [tilespmem:v3+s21+$0x0], $0xffff;
	v8 =	vadd.f32 v8, v9;
	v32 =	vshll.u32 v14, $0x10;
	v14 =	vand.u32 $0xFFFF0000, v14  }
0x5d: {  	v27 =	vld.idx.msk [tilespmem:v1+s22+$0x0], $0xffff;
	v26 =	vmul.f32 v31, v30;
	v10 =	vmul.f32 v21, v10;
	v21 =	vshll.u32 v33, $0x10  }
0x5e: {  	s8 =	simm.s32 $0x60;
	v54 =	vld.idx.msk [tilespmem:v4+s23+$0x0], $0xffff;
	v31 =	vshll.u32 v18, $0x10;
	v18 =	vand.u32 $0xFFFF0000, v18;
	v16 =	vmul.f32 v16, v22  }
0x5f: {  	v58 =	vld [tilespmem:s8+$0x0];
	v29 =	vmul.f32 v34, v32;
	v14 =	vmul.f32 v19, v14;
	v19 =	vand.u32 $0xFFFF0000, v33  }
0x60: {  	v28 =	vld.idx.msk [tilespmem:v7+s23+$0x0], $0xffff;
	v13 =	vadd.f32 v25, v13;
	v11 =	vadd.f32 v11, v12;
	v12 =	vmul.f32 v15, v24  }
0x61: {  	v9 =	vld.idx.msk [tilespmem:v2+s24+$0x0], $0xffff;
	v21 =	vmul.f32 v31, v21;
	v53 =	vshll.u32 v23, $0x10;
	v23 =	vand.u32 $0xFFFF0000, v23  }
0x62: {  	v30 =	vld.idx.msk [tilespmem:v5+s24+$0x0], $0xffff;
	v55 =	vshll.u32 v27, $0x10;
	v20 =	vand.u32 $0xFFFF0000, v27;
	v18 =	vmul.f32 v18, v19  }
0x63: {  	v22 =	vld.idx.msk [tilespmem:v3+s23+$0x0], $0xffff;
	v27 =	vshll.u32 v54, $0x10;
	v8 =	vadd.f32 v16, v8;
	v24 =	vadd.f32 v29, v26  }
0x64: {  	v3 =	vld.idx.msk [tilespmem:v3+s25+$0x0], $0xffff;
	v10 =	vadd.f32 v14, v10;
	v25 =	vmul.f32 v55, v53;
	v20 =	vmul.f32 v20, v23  }
0x65: {  	v15 =	vld.idx.msk [tilespmem:v1+s24+$0x0], $0xffff;
	v29 =	vand.u32 $0xFFFF0000, v54;
	v12 =	vadd.f32 v12, v17;
	v13 =	vadd.f32 v21, v13  }
0x66: {  	v2 =	vld.idx.msk [tilespmem:v2+s26+$0x0], $0xffff;
	v14 =	vshll.u32 v28, $0x10;
	v19 =	vand.u32 $0xFFFF0000, v28;
	v11 =	vadd.f32 v18, v11  }
0x67: {  	v31 =	vld [tilespmem:s8+$0xFFFFFFF0];
	v23 =	vshll.u32 v30, $0x10;
	v26 =	vand.u32 $0xFFFF0000, v30;
	v30 =	vshll.u32 v9, $0x10  }
0x68: {  	v5 =	vld.idx.msk [tilespmem:v5+s26+$0x0], $0xffff;
	v9 =	vand.u32 $0xFFFF0000, v9;
	v56 =	vshll.u32 v22, $0x10;
	v22 =	vand.u32 $0xFFFF0000, v22  }
0x69: {  	v28 =	vld [tilespmem:s8+$0x10];
	v18 =	vadd.f32 v25, v24;
	v59 =	vshll.u32 v3, $0x10;
	v3 =	vand.u32 $0xFFFF0000, v3  }
0x6a: {  	v7 =	vld.idx.msk [tilespmem:v7+s25+$0x0], $0xffff;
	v57 =	vshll.u32 v15, $0x10;
	v15 =	vand.u32 $0xFFFF0000, v15;
	v14 =	vmul.f32 v23, v14  }
0x6b: {  	v16 =	vld.idx.msk [tilespmem:v4+s25+$0x0], $0xffff;
	v17 =	vmul.f32 v26, v19;
	v19 =	vadd.f32 v20, v10;
	v21 =	vmul.f32 v30, v27  }
0x6c: {  	v23 =	vmul.f32 v9, v29;
	v4 =	vshrl.u32 v31, $0x10;
	v9 =	vand.u32 $0xFFFF, v58  }
0x6d: {  	v10 =	vand.u32 $0xFFFF, v31;
	v27 =	vshll.u32 v5, $0x10;
	v5 =	vand.u32 $0xFFFF0000, v5  }
0x6e: {  	v31 =	vshll.u32 v2, $0x10;
	v2 =	vand.u32 $0xFFFF0000, v2;
	v20 =	vand.u32 $0xFFFF, v28  }
0x6f: {  	v24 =	vld.idx.msk [tilespmem:v1+s26+$0x0], $0xffff;
	v26 =	vmul.f32 v57, v56;
	v15 =	vmul.f32 v15, v22;
	v22 =	vshll.u32 v7, $0x10  }
0x70: {  	v7 =	vand.u32 $0xFFFF0000, v7;
	v29 =	vshll.u32 v16, $0x10;
	v25 =	vshrl.u32 v28, $0x10;
	v28 =	vld [tilespmem:s8+$0xFFFFFFE0]  }
0x71: {  	v16 =	vand.u32 $0xFFFF0000, v16;
	v8 =	vadd.f32 v14, v8;
	v14 =	vmul.f32 v27, v22;
	v27 =	vld.idx.msk [tilespmem:v9+s19+$0x0], $0xffff  }
0x72: {  	v12 =	vadd.f32 v17, v12;
	v5 =	vmul.f32 v5, v7;
	v7 =	vadd.f32 v21, v13;
	v50 =	vld.idx.msk [tilespmem:v10+s23+$0x0], $0xffff  }
0x73: {  	v13 =	vadd.f32 v23, v11;
	v11 =	vmul.f32 v31, v29;
	v2 =	vmul.f32 v2, v16;
	v30 =	vld.idx.msk [tilespmem:v20+s25+$0x0], $0xffff  }
0x74: {  	v18 =	vadd.f32 v26, v18;
	v15 =	vadd.f32 v15, v19;
	v61 =	vshll.u32 v24, $0x10;
	v60 =	vld.idx.msk [tilespmem:v20+s23+$0x0], $0xffff  }
0x75: {  	v24 =	vand.u32 $0xFFFF0000, v24;
	v8 =	vadd.f32 v14, v8;
	v5 =	vadd.f32 v5, v12;
	v35 =	vld.idx.msk [tilespmem:v25+s24+$0x0], $0xffff  }
0x76: {  	v7 =	vadd.f32 v11, v7;
	v14 =	vmul.f32 v61, v59;
	v12 =	vmul.f32 v24, v3;
	v17 =	vld.idx.msk [tilespmem:v20+s21+$0x0], $0xffff  }
0x77: {  	v13 =	vadd.f32 v2, v13;
	v3 =	vadd.f32 v5, v8;
	v21 =	vld.idx.msk [tilespmem:v20+s14+$0x0], $0xffff  }
0x78: {  	v6 =	vmul.f32 v6, v0;
	v2 =	vadd.f32 v14, v18;
	v8 =	vadd.f32 v12, v15;
	v19 =	vld.idx.msk [tilespmem:v25+s15+$0x0], $0xffff  }
0x79: {  	v1 =	vshrl.u32 v58, $0x10;
	v5 =	vadd.f32 v13, v7;
	v16 =	vld.idx.msk [tilespmem:v20+s19+$0x0], $0xffff;
	v11 =	vshrl.u32 v28, $0x10  }
0x7a: {  	v20 =	vld.idx.msk [tilespmem:v25+s20+$0x0], $0xffff;
	v14 =	vand.u32 $0xFFFF, v28;
	v2 =	vadd.f32 v8, v2;
	v37 =	vshll.u32 v27, $0x10  }
0x7b: {  	v27 =	vand.u32 $0xFFFF0000, v27;
	v52 =	vshll.u32 v50, $0x10;
	v54 =	vand.u32 $0xFFFF0000, v50  }
0x7c: {  	v12 =	vld.idx.msk [tilespmem:v25+s22+$0x0], $0xffff;
	v7 =	vshll.u32 v60, $0x10;
	v13 =	vshll.u32 v30, $0x10;
	v15 =	vshll.u32 v21, $0x10  }
0x7d: {  	v18 =	vshll.u32 v17, $0x10;
	v22 =	vshll.u32 v35, $0x10;
	v21 =	vand.u32 $0xFFFF0000, v21  }
0x7e: {  	s10 =	simm.s32 $0xA0;
	v23 =	vshll.u32 v19, $0x10;
	v19 =	vand.u32 $0xFFFF0000, v19;
	v24 =	vshll.u32 v16, $0x10  }
0x7f: {  	v53 =	vld [tilespmem:s10+$0x10];
	v16 =	vand.u32 $0xFFFF0000, v16;
	v26 =	vshll.u32 v20, $0x10;
	v20 =	vand.u32 $0xFFFF0000, v20  }
0x80: {  	v25 =	vld.idx.msk [tilespmem:v25+s26+$0x0], $0xffff;
	v17 =	vand.u32 $0xFFFF0000, v17;
	v15 =	vmul.f32 v23, v15;
	v19 =	vmul.f32 v19, v21  }
0x81: {  	v21 =	vld.idx.msk [tilespmem:v14+s14+$0x0], $0xffff;
	v23 =	vmul.f32 v26, v24;
	v16 =	vmul.f32 v20, v16;
	v20 =	vshll.u32 v12, $0x10  }
0x82: {  	v12 =	vand.u32 $0xFFFF0000, v12;
	v7 =	vmul.f32 v22, v7;
	v22 =	vld.idx.msk [tilespmem:v10+s14+$0x0], $0xffff;
	v18 =	vmul.f32 v20, v18  }
0x83: {  	v26 =	vld.idx.msk [tilespmem:v10+s19+$0x0], $0xffff;
	v12 =	vmul.f32 v12, v17;
	v15 =	vadd.f32 v23, v15;
	v16 =	vadd.f32 v16, v19  }
0x84: {  	v24 =	vld.idx.msk [tilespmem:v11+s15+$0x0], $0xffff;
	v19 =	vand.u32 $0xFFFF0000, v60;
	v23 =	vand.u32 $0xFFFF0000, v35;
	v60 =	vshrl.u32 v53, $0x10  }
0x85: {  	v17 =	vld.idx.msk [tilespmem:v11+s20+$0x0], $0xffff;
	v15 =	vadd.f32 v18, v15;
	v12 =	vadd.f32 v12, v16;
	v16 =	vmul.f32 v23, v19  }
0x86: {  	v18 =	vshll.u32 v25, $0x10;
	v23 =	vand.u32 $0xFFFF0000, v30;
	v25 =	vand.u32 $0xFFFF0000, v25  }
0x87: {  	v20 =	vld.idx.msk [tilespmem:v14+s19+$0x0], $0xffff;
	v13 =	vmul.f32 v18, v13;
	v18 =	vshll.u32 v21, $0x10;
	v21 =	vand.u32 $0xFFFF0000, v21  }
0x88: {  	v30 =	vld.idx.msk [tilespmem:v1+s20+$0x0], $0xffff;
	v29 =	vshll.u32 v22, $0x10;
	v31 =	vshll.u32 v26, $0x10;
	v26 =	vand.u32 $0xFFFF0000, v26  }
0x89: {  	v62 =	vld.idx.msk [tilespmem:v14+s21+$0x0], $0xffff;
	v7 =	vadd.f32 v7, v15;
	v12 =	vadd.f32 v16, v12;
	v16 =	vmul.f32 v25, v23  }
0x8a: {  	v38 =	vld.idx.msk [tilespmem:v10+s21+$0x0], $0xffff;
	v25 =	vshll.u32 v24, $0x10;
	v24 =	vand.u32 $0xFFFF0000, v24;
	v28 =	vshll.u32 v17, $0x10  }
0x8b: {  	v19 =	vld.idx.msk [tilespmem:v4+s15+$0x0], $0xffff;
	v17 =	vand.u32 $0xFFFF0000, v17;
	v18 =	vmul.f32 v25, v18;
	v21 =	vmul.f32 v24, v21  }
0x8c: {  	v15 =	vld.idx.msk [tilespmem:v4+s20+$0x0], $0xffff;
	v7 =	vadd.f32 v13, v7;
	v12 =	vadd.f32 v16, v12;
	v16 =	vshll.u32 v20, $0x10  }
0x8d: {  	v23 =	vld.idx.msk [tilespmem:v9+s14+$0x0], $0xffff;
	v20 =	vand.u32 $0xFFFF0000, v20;
	v39 =	vshll.u32 v30, $0x10;
	v25 =	vand.u32 $0xFFFF0000, v30  }
0x8e: {  	v42 =	vld.idx.msk [tilespmem:v11+s22+$0x0], $0xffff;
	v16 =	vmul.f32 v28, v16;
	v17 =	vmul.f32 v17, v20;
	v28 =	vshll.u32 v62, $0x10  }
0x8f: {  	v30 =	vand.u32 $0xFFFF0000, v62;
	v7 =	vadd.f32 v12, v7;
	v12 =	vand.u32 $0xFFFF0000, v22  }
0x90: {  	v22 =	vshll.u32 v19, $0x10;
	v19 =	vand.u32 $0xFFFF0000, v19;
	v45 =	vmul.f32 v39, v37  }
0x91: {  	v24 =	vld.idx.msk [tilespmem:v4+s22+$0x0], $0xffff;
	v25 =	vmul.f32 v25, v27;
	v27 =	vand.u32 $0xFFFF0000, v38;
	v63 =	vshll.u32 v15, $0x10  }
0x92: {  	v13 =	vld.idx.msk [tilespmem:v1+s15+$0x0], $0xffff;
	v15 =	vand.u32 $0xFFFF0000, v15;
	v43 =	vshll.u32 v23, $0x10;
	v23 =	vand.u32 $0xFFFF0000, v23  }
0x93: {  	v46 =	vld.idx.msk [tilespmem:v14+s23+$0x0], $0xffff;
	v22 =	vmul.f32 v22, v29;
	v12 =	vmul.f32 v19, v12;
	v19 =	vshll.u32 v42, $0x10  }
0x94: {  	v20 =	vld.idx.msk [tilespmem:v9+s21+$0x0], $0xffff;
	v16 =	vadd.f32 v16, v18;
	v17 =	vadd.f32 v17, v21;
	v7 =	vmul.f32 v7, v0  }
0x95: {  	v31 =	vmul.f32 v63, v31;
	v15 =	vmul.f32 v15, v26;
	v26 =	vand.u32 $0xFFFF0000, v42  }
0x96: {  	v29 =	vld.idx.msk [tilespmem:v1+s22+$0x0], $0xffff;
	v47 =	vshll.u32 v24, $0x10;
	v24 =	vand.u32 $0xFFFF0000, v24;
	v19 =	vmul.f32 v19, v28  }
0x97: {  	v36 =	vshll.u32 v13, $0x10;
	v13 =	vand.u32 $0xFFFF0000, v13;
	v24 =	vmul.f32 v24, v27  }
0x98: {  	v18 =	vld.idx.msk [tilespmem:v4+s24+$0x0], $0xffff;
	v27 =	vand.u32 $0xFFFF0000, v46;
	v44 =	vmul.f32 v36, v43;
	v13 =	vmul.f32 v13, v23  }
0x99: {  	v56 =	vld [tilespmem:s10+$0xFFFFFFF0];
	v23 =	vshll.u32 v38, $0x10;
	v49 =	vshll.u32 v20, $0x10;
	v20 =	vand.u32 $0xFFFF0000, v20  }
0x9a: {  	v4 =	vld.idx.msk [tilespmem:v4+s26+$0x0], $0xffff;
	v22 =	vadd.f32 v31, v22;
	v12 =	vadd.f32 v15, v12;
	v15 =	vmul.f32 v26, v30  }
0x9b: {  	v48 =	vld.idx.msk [tilespmem:v11+s24+$0x0], $0xffff;
	v16 =	vadd.f32 v19, v16;
	v23 =	vmul.f32 v47, v23;
	v51 =	vshll.u32 v29, $0x10  }
0x9c: {  	v28 =	vld.idx.msk [tilespmem:v9+s23+$0x0], $0xffff;
	v21 =	vand.u32 $0xFFFF0000, v29;
	v26 =	vadd.f32 v45, v44;
	v13 =	vadd.f32 v25, v13  }
0x9d: {  	v59 =	vld [tilespmem:s10+$0x0];
	v25 =	vshll.u32 v46, $0x10;
	v55 =	vshll.u32 v18, $0x10;
	v18 =	vand.u32 $0xFFFF0000, v18  }
0x9e: {  	v14 =	vld.idx.msk [tilespmem:v14+s25+$0x0], $0xffff;
	v15 =	vadd.f32 v15, v17;
	v24 =	vadd.f32 v24, v12;
	v12 =	vand.u32 $0xFFFF, v56  }
0x9f: {  	v31 =	vld.idx.msk [tilespmem:v11+s26+$0x0], $0xffff;
	v45 =	vshll.u32 v4, $0x10;
	v4 =	vand.u32 $0xFFFF0000, v4;
	v30 =	vmul.f32 v51, v49  }
0xa0: {  	v19 =	vld [tilespmem:s10+$0xFFFFFFE0];
	v11 =	vmul.f32 v21, v20;
	v20 =	vshll.u32 v48, $0x10;
	v21 =	vand.u32 $0xFFFF0000, v48  }
0xa1: {  	v29 =	vld.idx.msk [tilespmem:v1+s24+$0x0], $0xffff;
	v57 =	vshll.u32 v28, $0x10;
	v28 =	vand.u32 $0xFFFF0000, v28;
	v22 =	vadd.f32 v23, v22  }
0xa2: {  	v23 =	vld.idx.msk [tilespmem:v10+s25+$0x0], $0xffff;
	v18 =	vmul.f32 v18, v54;
	v10 =	vand.u32 $0xFFFF, v59;
	v20 =	vmul.f32 v20, v25  }
0xa3: {  	v1 =	vld.idx.msk [tilespmem:v1+s26+$0x0], $0xffff;
	v21 =	vmul.f32 v21, v27;
	v27 =	vand.u32 $0xFFFF, v53;
	v25 =	vadd.f32 v30, v26  }
0xa4: {  	v26 =	vadd.f32 v11, v13;
	v30 =	vld.idx.msk [tilespmem:v9+s25+$0x0], $0xffff;
	v11 =	vshrl.u32 v56, $0x10;
	v9 =	vshrl.u32 v59, $0x10  }
0xa5: {  	v13 =	vshrl.u32 v19, $0x10;
	v62 =	vshll.u32 v31, $0x10;
	v31 =	vand.u32 $0xFFFF0000, v31  }
0xa6: {  	v18 =	vadd.f32 v18, v24;
	v19 =	vand.u32 $0xFFFF, v19;
	v16 =	vadd.f32 v20, v16  }
0xa7: {  	v15 =	vadd.f32 v21, v15;
	v58 =	vshll.u32 v29, $0x10;
	v17 =	vand.u32 $0xFFFF0000, v29  }
0xa8: {  	v47 =	vld.idx.msk [tilespmem:v60+s26+$0x0], $0xffff;
	v29 =	vmul.f32 v55, v52;
	v40 =	vshll.u32 v1, $0x10;
	v1 =	vand.u32 $0xFFFF0000, v1  }
0xa9: {  	v21 =	vld.idx.msk [tilespmem:v60+s24+$0x0], $0xffff;
	v61 =	vmul.f32 v58, v57;
	v17 =	vmul.f32 v17, v28;
	v28 =	vshll.u32 v14, $0x10  }
0xaa: {  	v14 =	vand.u32 $0xFFFF0000, v14;
	v63 =	vshll.u32 v23, $0x10;
	v23 =	vand.u32 $0xFFFF0000, v23;
	v57 =	vld.idx.msk [tilespmem:v12+s21+$0x0], $0xffff  }
0xab: {  	v44 =	vld.idx.msk [tilespmem:v27+s25+$0x0], $0xffff;
	v20 =	vmul.f32 v62, v28;
	v14 =	vmul.f32 v31, v14;
	v22 =	vadd.f32 v29, v22  }
0xac: {  	v41 =	vld.idx.msk [tilespmem:v27+s23+$0x0], $0xffff;
	v28 =	vmul.f32 v45, v63;
	v4 =	vmul.f32 v4, v23;
	v46 =	vshll.u32 v30, $0x10  }
0xad: {  	v24 =	vld.idx.msk [tilespmem:v27+s21+$0x0], $0xffff;
	v30 =	vand.u32 $0xFFFF0000, v30;
	v25 =	vadd.f32 v61, v25;
	v17 =	vadd.f32 v17, v26  }
0xae: {  	v23 =	vld.idx.msk [tilespmem:v60+s15+$0x0], $0xffff;
	v16 =	vadd.f32 v20, v16;
	v20 =	vmul.f32 v40, v46;
	v14 =	vadd.f32 v14, v15  }
0xaf: {  	v26 =	vld.idx.msk [tilespmem:v27+s14+$0x0], $0xffff;
	v22 =	vadd.f32 v28, v22;
	v28 =	vmul.f32 v1, v30;
	v18 =	vadd.f32 v4, v18  }
0xb0: {  	v27 =	vld.idx.msk [tilespmem:v27+s19+$0x0], $0xffff;
	v15 =	vmul.f32 v3, v0;
	v1 =	vadd.f32 v20, v25;
	v4 =	vadd.f32 v14, v16  }
0xb1: {  	v50 =	vld.idx.msk [tilespmem:v9+s20+$0x0], $0xffff;
	v3 =	vadd.f32 v28, v17;
	v16 =	vmul.f32 v5, v0;
	v5 =	vadd.f32 v18, v22  }
0xb2: {  	v52 =	vld.idx.msk [tilespmem:v19+s21+$0x0], $0xffff;
	v18 =	vshll.u32 v47, $0x10;
	v28 =	vshll.u32 v21, $0x10;
	v21 =	vand.u32 $0xFFFF0000, v21  }
0xb3: {  	v42 =	vld.idx.msk [tilespmem:v11+s22+$0x0], $0xffff;
	v62 =	vshll.u32 v57, $0x10;
	v40 =	vand.u32 $0xFFFF0000, v57;
	v14 =	vshll.u32 v41, $0x10  }
0xb4: {  	v20 =	vld.idx.msk [tilespmem:v60+s20+$0x0], $0xffff;
	v17 =	vshll.u32 v44, $0x10;
	v25 =	vshll.u32 v24, $0x10;
	v29 =	vshll.u32 v23, $0x10  }
0xb5: {  	v8 =	vld.idx.msk [tilespmem:v60+s22+$0x0], $0xffff;
	v23 =	vand.u32 $0xFFFF0000, v23;
	v24 =	vand.u32 $0xFFFF0000, v24;
	v22 =	vshll.u32 v26, $0x10  }
0xb6: {  	v26 =	vand.u32 $0xFFFF0000, v26;
	v30 =	vshll.u32 v27, $0x10;
	v27 =	vand.u32 $0xFFFF0000, v27  }
0xb7: {  	v14 =	vmul.f32 v28, v14;
	v17 =	vmul.f32 v18, v17;
	v45 =	vshll.u32 v50, $0x10  }
0xb8: {  	v18 =	vld.idx.msk [tilespmem:v11+s20+$0x0], $0xffff;
	v35 =	vand.u32 $0xFFFF0000, v52;
	v63 =	vshll.u32 v42, $0x10;
	v22 =	vmul.f32 v29, v22  }
0xb9: {  	v23 =	vmul.f32 v23, v26;
	v26 =	vld.idx.msk [tilespmem:v13+s15+$0x0], $0xffff;
	v31 =	vshll.u32 v20, $0x10;
	v20 =	vand.u32 $0xFFFF0000, v20  }
0xba: {  	v29 =	vmul.f32 v31, v30;
	v20 =	vmul.f32 v20, v27;
	v27 =	vshll.u32 v8, $0x10  }
0xbb: {  	v42 =	vand.u32 $0xFFFF0000, v42;
	v8 =	vand.u32 $0xFFFF0000, v8;
	v31 =	vld.idx.msk [tilespmem:v9+s15+$0x0], $0xffff;
	v25 =	vmul.f32 v27, v25  }
0xbc: {  	v48 =	vld.idx.msk [tilespmem:v19+s14+$0x0], $0xffff;
	v8 =	vmul.f32 v8, v24;
	v24 =	vand.u32 $0xFFFF0000, v41;
	v22 =	vadd.f32 v29, v22  }
0xbd: {  	v27 =	vld.idx.msk [tilespmem:v13+s20+$0x0], $0xffff;
	v55 =	vshll.u32 v18, $0x10;
	v18 =	vand.u32 $0xFFFF0000, v18;
	v20 =	vadd.f32 v20, v23  }
0xbe: {  	v23 =	vld.idx.msk [tilespmem:v12+s14+$0x0], $0xffff;
	v29 =	vshll.u32 v26, $0x10;
	v26 =	vand.u32 $0xFFFF0000, v26;
	v22 =	vadd.f32 v25, v22  }
0xbf: {  	v8 =	vadd.f32 v8, v20;
	v20 =	vmul.f32 v21, v24;
	v24 =	vand.u32 $0xFFFF0000, v44  }
0xc0: {  	v30 =	vld.idx.msk [tilespmem:v19+s19+$0x0], $0xffff;
	v25 =	vand.u32 $0xFFFF0000, v47;
	v58 =	vshll.u32 v31, $0x10;
	v31 =	vand.u32 $0xFFFF0000, v31  }
0xc1: {  	v21 =	vld.idx.msk [tilespmem:v12+s19+$0x0], $0xffff;
	v14 =	vadd.f32 v14, v22;
	v8 =	vadd.f32 v20, v8;
	v20 =	vmul.f32 v25, v24  }
0xc2: {  	v46 =	vld.idx.msk [tilespmem:v10+s21+$0x0], $0xffff;
	v24 =	vshll.u32 v48, $0x10;
	v25 =	vand.u32 $0xFFFF0000, v48;
	v49 =	vshll.u32 v27, $0x10  }
0xc3: {  	v59 =	vld.idx.msk [tilespmem:v19+s23+$0x0], $0xffff;
	v27 =	vand.u32 $0xFFFF0000, v27;
	v51 =	vshll.u32 v23, $0x10;
	v24 =	vmul.f32 v29, v24  }
0xc4: {  	v28 =	vld.idx.msk [tilespmem:v11+s15+$0x0], $0xffff;
	v25 =	vmul.f32 v26, v25;
	v26 =	vand.u32 $0xFFFF0000, v50;
	v14 =	vadd.f32 v17, v14  }
0xc5: {  	v22 =	vld.idx.msk [tilespmem:v10+s14+$0x0], $0xffff;
	v8 =	vadd.f32 v20, v8;
	v20 =	vshll.u32 v30, $0x10;
	v30 =	vand.u32 $0xFFFF0000, v30  }
0xc6: {  	s1 =	simm.s32 $0x2920;
	v60 =	vld.idx.msk [tilespmem:v13+s24+$0x0], $0xffff;
	v53 =	vshll.u32 v21, $0x10;
	v21 =	vand.u32 $0xFFFF0000, v21;
	v32 =	vmul.f32 v49, v20  }
0xc7: {  	[tilespmem:s1+$0xFFFFFFE0] =	vst v15;
	v15 =	vld.idx.msk [tilespmem:v11+s26+$0x0], $0xffff;
	v27 =	vmul.f32 v27, v30;
	v30 =	vshll.u32 v52, $0x10;
	v49 =	vshll.u32 v46, $0x10  }
0xc8: {  	v29 =	vld.idx.msk [tilespmem:v9+s22+$0x0], $0xffff;
	v46 =	vand.u32 $0xFFFF0000, v46;
	v8 =	vadd.f32 v8, v14;
	v14 =	vand.u32 $0xFFFF0000, v23  }
0xc9: {  	[tilespmem:s1+$0x10] =	vst v6;
	s10 =	simm.s32 $0x2960;
	v17 =	vld.idx.msk [tilespmem:v10+s19+$0x0], $0xffff;
	v23 =	vshll.u32 v28, $0x10;
	v28 =	vand.u32 $0xFFFF0000, v28;
	v36 =	vmul.f32 v55, v53  }
0xca: {  	[tilespmem:s10+$0x10] =	vst v7;
	v61 =	vmul.f32 v18, v21;
	v18 =	vld.idx.msk [tilespmem:v11+s24+$0x0], $0xffff;
	v11 =	vshll.u32 v59, $0x10;
	v56 =	vshll.u32 v22, $0x10  }
0xcb: {  	[tilespmem:s1+$0xFFFFFFF0] =	vst v16;
	v22 =	vand.u32 $0xFFFF0000, v22;
	v23 =	vmul.f32 v23, v51;
	v28 =	vmul.f32 v28, v14  }
0xcc: {  	v16 =	vld.idx.msk [tilespmem:v10+s25+$0x0], $0xffff;
	v6 =	vadd.f32 v32, v24;
	v7 =	vadd.f32 v27, v25;
	v27 =	vmul.f32 v63, v62  }
0xcd: {  	v32 =	vshll.u32 v60, $0x10;
	v54 =	vmul.f32 v8, v0;
	v8 =	vld.idx.msk [tilespmem:v13+s22+$0x0], $0xffff;
	v39 =	vmul.f32 v58, v56  }
0xce: {  	v14 =	vld.idx.msk [tilespmem:v19+s25+$0x0], $0xffff;
	v31 =	vmul.f32 v31, v22;
	v50 =	vshll.u32 v29, $0x10;
	v43 =	vshll.u32 v17, $0x10  }
0xcf: {  	v19 =	vand.u32 $0xFFFF0000, v29;
	v44 =	vand.u32 $0xFFFF0000, v17;
	v17 =	vld.idx.msk [tilespmem:v12+s23+$0x0], $0xffff;
	v43 =	vmul.f32 v45, v43  }
0xd0: {  	v20 =	vld.idx.msk [tilespmem:v10+s23+$0x0], $0xffff;
	v29 =	vand.u32 $0xFFFF0000, v59;
	v22 =	vadd.f32 v61, v28;
	v28 =	vmul.f32 v42, v40  }
0xd1: {  	v21 =	vld.idx.msk [tilespmem:v9+s24+$0x0], $0xffff;
	v10 =	vmul.f32 v19, v46;
	v44 =	vmul.f32 v26, v44;
	v24 =	vadd.f32 v43, v39  }
0xd2: {  	v13 =	vld.idx.msk [tilespmem:v13+s26+$0x0], $0xffff;
	v47 =	vshll.u32 v8, $0x10;
	v48 =	vand.u32 $0xFFFF0000, v8;
	v8 =	vadd.f32 v36, v23  }
0xd3: {  	s8 =	simm.s32 $0x29A0;
	v12 =	vld.idx.msk [tilespmem:v12+s25+$0x0], $0xffff;
	v23 =	vadd.f32 v44, v31;
	v31 =	vand.u32 $0xFFFF0000, v60;
	v25 =	vmul.f32 v47, v30  }
0xd4: {  	s4 =	simm.s32 $0x8;
	s7 =	simm.s32 $0xE0;
	v19 =	vld.idx.msk [tilespmem:v9+s26+$0x0], $0xffff;
	[tilespmem:s8+$0x10] =	vst v54;
	v26 =	vmul.f32 v48, v35;
	v30 =	vmul.f32 v50, v49;
	v9 =	vshll.u32 v17, $0x10  }
.LBB2_3:
0xd5: {  	v33 =	vld [tilespmem:s7+$0x10];
	v17 =	vand.u32 $0xFFFF0000, v17;
	v34 =	vshll.u32 v18, $0x10;
	v18 =	vand.u32 $0xFFFF0000, v18  }
0xd6: {  	v36 =	vshll.u32 v20, $0x10;
	v20 =	vand.u32 $0xFFFF0000, v20;
	v37 =	vshll.u32 v21, $0x10;
	v35 =	vld [tilespmem:s7+$0xFFFFFFF0]  }
0xd7: {  	v25 =	vadd.f32 v25, v6;
	v26 =	vadd.f32 v26, v7;
	v21 =	vand.u32 $0xFFFF0000, v21;
	v38 =	vld [tilespmem:s7+$0x0]  }
0xd8: {  	v32 =	vmul.f32 v32, v11;
	v27 =	vadd.f32 v27, v8;
	v22 =	vadd.f32 v28, v22;
	v39 =	vld [tilespmem:s7+$0xFFFFFFE0]  }
0xd9: {  	v28 =	vmul.f32 v31, v29;
	v24 =	vadd.f32 v30, v24;
	v23 =	vadd.f32 v10, v23  }
0xda: {  	v30 =	vmul.f32 v34, v9;
	v17 =	vmul.f32 v18, v17;
	v29 =	vand.u32 $0xFFFF, v33  }
0xdb: {  	v18 =	vshrl.u32 v33, $0x10;
	v8 =	vshrl.u32 v35, $0x10;
	v9 =	vand.u32 $0xFFFF, v35  }
0xdc: {  	v31 =	vmul.f32 v37, v36;
	v6 =	vshrl.u32 v38, $0x10;
	v7 =	vand.u32 $0xFFFF, v38  }
0xdd: {  	v20 =	vmul.f32 v21, v20;
	v10 =	vshrl.u32 v39, $0x10;
	v11 =	vand.u32 $0xFFFF, v39  }
0xde: {  	s4 =	sadd.s32 $0x4, s4;
	v21 =	vshll.u32 v14, $0x10;
	v14 =	vand.u32 $0xFFFF0000, v14;
	v33 =	vshll.u32 v13, $0x10  }
0xdf: {  	p1 =	slt.u32 s4, $0xFC;
	v13 =	vand.u32 $0xFFFF0000, v13;
	v35 =	vshll.u32 v12, $0x10;
	v12 =	vand.u32 $0xFFFF0000, v12;
	v34 =	vld.idx.msk [tilespmem:v29+s25+$0x0], $0xffff  }
0xe0: {  	v37 =	vshll.u32 v15, $0x10;
	v15 =	vand.u32 $0xFFFF0000, v15;
	v38 =	vshll.u32 v16, $0x10;
	v36 =	vld.idx.msk [tilespmem:v18+s26+$0x0], $0xffff  }
0xe1: {  	v40 =	vshll.u32 v19, $0x10;
	v19 =	vand.u32 $0xFFFF0000, v19;
	v16 =	vand.u32 $0xFFFF0000, v16;
	v39 =	vld.idx.msk [tilespmem:v29+s23+$0x0], $0xffff  }
0xe2: {  	v25 =	vadd.f32 v32, v25;
	v26 =	vadd.f32 v28, v26;
	v21 =	vmul.f32 v33, v21;
	v41 =	vld.idx.msk [tilespmem:v18+s24+$0x0], $0xffff  }
0xe3: {  	v17 =	vadd.f32 v17, v22;
	v13 =	vmul.f32 v13, v14;
	v14 =	vadd.f32 v30, v27;
	v28 =	vld.idx.msk [tilespmem:v29+s21+$0x0], $0xffff  }
0xe4: {  	v24 =	vadd.f32 v31, v24;
	v20 =	vadd.f32 v20, v23;
	v27 =	vmul.f32 v37, v35;
	v22 =	vld.idx.msk [tilespmem:v29+s14+$0x0], $0xffff  }
0xe5: {  	v12 =	vmul.f32 v15, v12;
	v21 =	vadd.f32 v21, v25;
	v15 =	vmul.f32 v40, v38;
	v23 =	vld.idx.msk [tilespmem:v18+s15+$0x0], $0xffff  }
0xe6: {  	v13 =	vadd.f32 v13, v26;
	v16 =	vmul.f32 v19, v16;
	v14 =	vadd.f32 v27, v14;
	v25 =	vld.idx.msk [tilespmem:v29+s19+$0x0], $0xffff  }
0xe7: {  	v12 =	vadd.f32 v12, v17;
	v17 =	vmul.f32 v4, v0;
	v15 =	vadd.f32 v15, v24;
	v19 =	vld.idx.msk [tilespmem:v18+s20+$0x0], $0xffff  }
0xe8: {  	v4 =	vadd.f32 v13, v21;
	v13 =	vadd.f32 v16, v20;
	v16 =	vmul.f32 v5, v0;
	v24 =	vld.idx.msk [tilespmem:v11+s14+$0x0], $0xffff  }
0xe9: {  	v5 =	vadd.f32 v12, v14;
	v12 =	vmul.f32 v2, v0;
	v2 =	vadd.f32 v3, v1;
	v18 =	vld.idx.msk [tilespmem:v18+s22+$0x0], $0xffff  }
0xea: {  	v1 =	vmovc v15;
	v3 =	vmovc v13;
	v21 =	vshll.u32 v34, $0x10;
	v26 =	vshll.u32 v36, $0x10;
	v20 =	vshll.u32 v39, $0x10;
	v14 =	vld.idx.msk [tilespmem:v10+s15+$0x0], $0xffff;
	[tilespmem:s10+$0xFFFFFFE0] =	vst v17  }
0xeb: {  	v27 =	vshll.u32 v41, $0x10;
	v15 =	vshll.u32 v22, $0x10;
	v17 =	vshll.u32 v28, $0x10;
	v13 =	vld.idx.msk [tilespmem:v11+s19+$0x0], $0xffff;
	[tilespmem:s10+$0xFFFFFFF0] =	vst v16  }
0xec: {  	v22 =	vand.u32 $0xFFFF0000, v22;
	v29 =	vshll.u32 v23, $0x10;
	v23 =	vand.u32 $0xFFFF0000, v23;
	v16 =	vld.idx.msk [tilespmem:v10+s20+$0x0], $0xffff;
	[tilespmem:s1+$0x0] =	vst v12;
	s1 =	smov.u32 s10;
	s10 =	smov.u32 s8  }
0xed: {  	v30 =	vshll.u32 v25, $0x10;
	v25 =	vand.u32 $0xFFFF0000, v25;
	v31 =	vshll.u32 v19, $0x10;
	v12 =	vld.idx.msk [tilespmem:v9+s14+$0x0], $0xffff  }
0xee: {  	v15 =	vmul.f32 v29, v15;
	v22 =	vmul.f32 v23, v22;
	v19 =	vand.u32 $0xFFFF0000, v19;
	v32 =	vld.idx.msk [tilespmem:v8+s15+$0x0], $0xffff  }
0xef: {  	v29 =	vmul.f32 v31, v30;
	v19 =	vmul.f32 v19, v25;
	v25 =	vshll.u32 v18, $0x10;
	v23 =	vld.idx.msk [tilespmem:v9+s19+$0x0], $0xffff  }
0xf0: {  	v28 =	vand.u32 $0xFFFF0000, v28;
	v18 =	vand.u32 $0xFFFF0000, v18;
	v17 =	vmul.f32 v25, v17;
	v30 =	vld.idx.msk [tilespmem:v8+s20+$0x0], $0xffff  }
0xf1: {  	v15 =	vadd.f32 v29, v15;
	v19 =	vadd.f32 v19, v22;
	v18 =	vmul.f32 v18, v28;
	v25 =	vld.idx.msk [tilespmem:v7+s14+$0x0], $0xffff  }
0xf2: {  	v20 =	vmul.f32 v27, v20;
	v28 =	vand.u32 $0xFFFF0000, v39;
	v29 =	vand.u32 $0xFFFF0000, v41;
	v22 =	vld.idx.msk [tilespmem:v6+s15+$0x0], $0xffff  }
0xf3: {  	v15 =	vadd.f32 v17, v15;
	v17 =	vadd.f32 v18, v19;
	v18 =	vmul.f32 v29, v28;
	v27 =	vld.idx.msk [tilespmem:v7+s19+$0x0], $0xffff  }
0xf4: {  	v21 =	vmul.f32 v26, v21;
	v28 =	vand.u32 $0xFFFF0000, v34;
	v29 =	vand.u32 $0xFFFF0000, v36;
	v19 =	vld.idx.msk [tilespmem:v6+s20+$0x0], $0xffff  }
0xf5: {  	v15 =	vadd.f32 v20, v15;
	v17 =	vadd.f32 v18, v17;
	v18 =	vmul.f32 v29, v28;
	v26 =	vld.idx.msk [tilespmem:v11+s21+$0x0], $0xffff  }
0xf6: {  	v20 =	vshll.u32 v24, $0x10;
	v24 =	vand.u32 $0xFFFF0000, v24;
	v28 =	vshll.u32 v14, $0x10;
	v29 =	vld.idx.msk [tilespmem:v10+s22+$0x0], $0xffff  }
0xf7: {  	v14 =	vand.u32 $0xFFFF0000, v14;
	v15 =	vadd.f32 v21, v15;
	v17 =	vadd.f32 v18, v17;
	v31 =	vld.idx.msk [tilespmem:v9+s21+$0x0], $0xffff  }
0xf8: {  	v33 =	vshll.u32 v16, $0x10;
	v21 =	vshll.u32 v13, $0x10;
	v13 =	vand.u32 $0xFFFF0000, v13;
	v34 =	vld.idx.msk [tilespmem:v8+s22+$0x0], $0xffff  }
0xf9: {  	v16 =	vand.u32 $0xFFFF0000, v16;
	v35 =	vshll.u32 v12, $0x10;
	v15 =	vadd.f32 v17, v15;
	v36 =	vld.idx.msk [tilespmem:v7+s21+$0x0], $0xffff  }
0xfa: {  	v12 =	vand.u32 $0xFFFF0000, v12;
	v37 =	vshll.u32 v32, $0x10;
	v32 =	vand.u32 $0xFFFF0000, v32;
	v38 =	vld.idx.msk [tilespmem:v6+s22+$0x0], $0xffff  }
0xfb: {  	v40 =	vshll.u32 v23, $0x10;
	v23 =	vand.u32 $0xFFFF0000, v23;
	v15 =	vmul.f32 v15, v0;
	v39 =	vld.idx.msk [tilespmem:v11+s23+$0x0], $0xffff  }
0xfc: {  	s8 =	sadd.s32 $0x40, s8;
	v42 =	vshll.u32 v30, $0x10;
	v30 =	vand.u32 $0xFFFF0000, v30;
	v43 =	vshll.u32 v25, $0x10;
	v41 =	vld.idx.msk [tilespmem:v10+s24+$0x0], $0xffff  }
0xfd: {  	v25 =	vand.u32 $0xFFFF0000, v25;
	v44 =	vshll.u32 v22, $0x10;
	v22 =	vand.u32 $0xFFFF0000, v22;
	v17 =	vld.idx.msk [tilespmem:v9+s23+$0x0], $0xffff;
	[tilespmem:s8+$0x10] =	vst v15  }
0xfe: {  	v45 =	vshll.u32 v27, $0x10;
	v27 =	vand.u32 $0xFFFF0000, v27;
	v46 =	vshll.u32 v19, $0x10;
	v18 =	vld.idx.msk [tilespmem:v8+s24+$0x0], $0xffff  }
0xff: {  	v28 =	vmul.f32 v28, v20;
	v24 =	vmul.f32 v14, v24;
	v19 =	vand.u32 $0xFFFF0000, v19;
	v20 =	vld.idx.msk [tilespmem:v7+s23+$0x0], $0xffff  }
0x100: {  	v33 =	vmul.f32 v33, v21;
	v47 =	vmul.f32 v16, v13;
	v48 =	vshll.u32 v26, $0x10;
	v21 =	vld.idx.msk [tilespmem:v6+s24+$0x0], $0xffff  }
0x101: {  	v32 =	vmul.f32 v32, v12;
	v26 =	vand.u32 $0xFFFF0000, v26;
	v14 =	vld.idx.msk [tilespmem:v11+s25+$0x0], $0xffff;
	v11 =	vmul.f32 v37, v35  }
0x102: {  	v23 =	vmul.f32 v30, v23;
	v35 =	vshll.u32 v29, $0x10;
	v13 =	vld.idx.msk [tilespmem:v10+s26+$0x0], $0xffff;
	v10 =	vmul.f32 v42, v40  }
0x103: {  	v30 =	vmul.f32 v22, v25;
	v29 =	vand.u32 $0xFFFF0000, v29;
	v12 =	vld.idx.msk [tilespmem:v9+s25+$0x0], $0xffff;
	v9 =	vmul.f32 v44, v43  }
0x104: {  	v27 =	vmul.f32 v19, v27;
	v37 =	vshll.u32 v31, $0x10;
	v40 =	vmul.f32 v46, v45;
	v15 =	vld.idx.msk [tilespmem:v8+s26+$0x0], $0xffff  }
0x105: {  	v31 =	vand.u32 $0xFFFF0000, v31;
	v42 =	vshll.u32 v34, $0x10;
	v34 =	vand.u32 $0xFFFF0000, v34;
	v16 =	vld.idx.msk [tilespmem:v7+s25+$0x0], $0xffff  }
0x106: {  	v43 =	vshll.u32 v36, $0x10;
	v36 =	vand.u32 $0xFFFF0000, v36;
	v44 =	vshll.u32 v38, $0x10;
	v19 =	vld.idx.msk [tilespmem:v6+s26+$0x0], $0xffff  }
0x107: {  	v7 =	vadd.f32 v47, v24;
	v6 =	vadd.f32 v33, v28;
	v33 =	vand.u32 $0xFFFF0000, v38  }
.Ltmp0:
0x108: {  	v22 =	vadd.f32 v23, v32;
	v25 =	vmul.f32 v35, v48;
	v8 =	vadd.f32 v10, v11;
	(pc) =	sbr.rel @p1 .LBB2_3-.Ltmp0, $4  }
0x109: {  	v23 =	vadd.f32 v27, v30;
	v26 =	vmul.f32 v29, v26;
	v24 =	vadd.f32 v40, v9  }
0x10a: {  	v27 =	vmul.f32 v42, v37;
	v11 =	vshll.u32 v39, $0x10;
	v28 =	vmul.f32 v34, v31  }
0x10b: {  	v29 =	vand.u32 $0xFFFF0000, v39;
	v30 =	vmul.f32 v44, v43;
	v10 =	vmul.f32 v33, v36  }
0x10c: {  	s7 =	sadd.s32 $0x40, s7;
	v32 =	vshll.u32 v41, $0x10;
	v9 =	vshll.u32 v17, $0x10;
	v31 =	vand.u32 $0xFFFF0000, v41  }
0x10d: {  	v17 =	vand.u32 $0xFFFF0000, v17  }
0x10e: {  	v33 =	vshll.u32 v18, $0x10;
	v18 =	vand.u32 $0xFFFF0000, v18;
	v34 =	vshll.u32 v20, $0x10  }
0x10f: {  	v20 =	vand.u32 $0xFFFF0000, v20;
	v35 =	vshll.u32 v21, $0x10;
	v6 =	vadd.f32 v25, v6  }
0x110: {  	v7 =	vadd.f32 v26, v7;
	v21 =	vand.u32 $0xFFFF0000, v21;
	v11 =	vmul.f32 v32, v11  }
0x111: {  	v8 =	vadd.f32 v27, v8;
	v22 =	vadd.f32 v28, v22;
	v25 =	vmul.f32 v31, v29  }
0x112: {  	v24 =	vadd.f32 v30, v24;
	v10 =	vadd.f32 v10, v23;
	v23 =	vshll.u32 v13, $0x10  }
0x113: {  	v13 =	vand.u32 $0xFFFF0000, v13;
	v26 =	vshll.u32 v12, $0x10;
	v12 =	vand.u32 $0xFFFF0000, v12  }
0x114: {  	v27 =	vshll.u32 v15, $0x10;
	v15 =	vand.u32 $0xFFFF0000, v15;
	v28 =	vshll.u32 v16, $0x10  }
0x115: {  	v16 =	vand.u32 $0xFFFF0000, v16;
	v29 =	vshll.u32 v19, $0x10;
	v4 =	vmul.f32 v4, v0  }
0x116: {  	v19 =	vand.u32 $0xFFFF0000, v19;
	v9 =	vmul.f32 v33, v9;
	v17 =	vmul.f32 v18, v17  }
0x117: {  	v1 =	vadd.f32 v3, v1;
	v18 =	vmul.f32 v35, v34;
	v20 =	vmul.f32 v21, v20  }
0x118: {  	v21 =	vshll.u32 v14, $0x10;
	v14 =	vand.u32 $0xFFFF0000, v14;
	v6 =	vadd.f32 v11, v6  }
0x119: {  	v7 =	vadd.f32 v25, v7;
	v11 =	vmul.f32 v23, v21;
	v13 =	vmul.f32 v13, v14  }
0x11a: {  	v14 =	vmul.f32 v27, v26;
	v8 =	vadd.f32 v9, v8;
	v9 =	vadd.f32 v17, v22  }
0x11b: {  	v17 =	vadd.f32 v18, v24;
	v6 =	vadd.f32 v11, v6;
	v11 =	vmul.f32 v15, v12  }
0x11c: {  	v10 =	vadd.f32 v20, v10;
	v12 =	vmul.f32 v29, v28;
	v7 =	vadd.f32 v13, v7  }
0x11d: {  	v13 =	vmul.f32 v19, v16;
	v8 =	vadd.f32 v14, v8;
	v9 =	vadd.f32 v11, v9  }
0x11e: {  	v5 =	vmul.f32 v5, v0;
	v11 =	vadd.f32 v12, v17;
	v6 =	vadd.f32 v7, v6  }
0x11f: {  	v2 =	vmul.f32 v2, v0;
	[tilespmem:s10+$0xFFFFFFE0] =	vst v4;
	v7 =	vadd.f32 v13, v10;
	v8 =	vadd.f32 v9, v8  }
0x120: {  	[tilespmem:s10+$0xFFFFFFF0] =	vst v5;
	v1 =	vmul.f32 v1, v0  }
0x121: {  	[tilespmem:s1+$0x0] =	vst v2;
	v4 =	vadd.f32 v7, v11;
	v2 =	vmul.f32 v8, v0  }
0x122: {  	[tilespmem:s10+$0x0] =	vst v1;
	v3 =	vmul.f32 v6, v0  }
0x123: {  	p1 =	seq.s32 s12, $0xF;
	s7 =	sshll.u32 s28, $0x9;
	[tilespmem:s8+$0xFFFFFFF0] =	vst v2;
	v2 =	vmul.f32 v4, v0  }
0x124: {  	s4 =	sadd.s32 @!p1 $0x2, s28;
	s28 =	smov.u32 s3;
	s1 =	sadd.s32 s3, s7;
	[tilespmem:s8+$0xFFFFFFE0] =	vst v3  }
0x125: {  	s7 =	smul.u32 @!p1 $0x140, s4;
	s3 =	simm.s32 $0x0;
	s10 =	simm.s32 $0x2900;
	[tilespmem:s8+$0x0] =	vst v2  }
0x126: {  	[hbm4b:s1+s3] =	stream.linear.scatter [tilespmem:s10], [sflag:$0x3], $0x1000, $0x38;
	[tilespmem:$0x4910] =	vst v63  }
0x127: {  	s4 =	smul.u32 @!p1 $0x50, s4;
	s1 =	rddreg [dreg:$0x0]  }
0x128: {  	s8 =	simm.s32 @!p1 $0x1000;
	s1 =	sadd.s32 @!p1 s1, s7;
	s7 =	simm.s32 @!p1 $0x0  }
0x129: {  	[tilespmem:s8], [sflag:$0x1] =	stream.linear.gather @!p1 [hbm4b:s1+s7], $0xA00, $0x38;
	[tilespmem:$0x4910] =	vst v63  }
0x12a: {  	s1 =	rddreg [dreg:$0x3]  }
0x12b: {  	s1 =	sadd.s32 @!p1 s1, s4;
	s4 =	simm.s32 @!p1 $0x2400  }
0x12c: {  	[tilespmem:s4], [sflag:$0x1] =	stream.linear.gather @!p1 [hbm4b:s1+s7], $0x280, $0x38;
	[tilespmem:$0x4910] =	vst v63  }
0x12d: {  	_ =	swait.ge [sflag:s29], $0xA00  }
0x12e: {  	[sflag:s29] =	ssyncset.done $0x0  }
0x12f: {  	[sflag:s29] =	ssyncadd.s32 $0xFFFFF600  }
0x130: {  	_ =	swait.ge [sflag:s29], $0x280  }
0x131: {  	[sflag:s29] =	ssyncset.done $0x0  }
0x132: {  	s1 =	simm.s32 @!p0 $0x4;
	[sflag:s29] =	ssyncadd.s32 $0xFFFFFD80  }
0x133: {  	_ =	swait.ge @!p0 [sflag:s1], $0x1000  }
0x134: {  	[sflag:s1] =	ssyncset.done @!p0 $0x0  }
0x135: {  	s7 =	simm.s32 $0x20;
	[sflag:s1] =	ssyncadd.s32 @!p0 $0xFFFFF000  }
0x136: {  	v1 =	vld [tilespmem:s7+$0x10];
	_ =	sdelay $0x4  }
0x137: {  	v3 =	vand.u32 $0xFFFF, v1  }
0x138: {  	v6 =	vshrl.u32 v1, $0x10  }
0x139: {  	v5 =	vld [tilespmem:s7+$0x0]  }
0x13a: {  	v7 =	vld [tilespmem:s7+$0xFFFFFFE0]  }
0x13b: {  	v1 =	vld [tilespmem:s7+$0xFFFFFFF0]  }
0x13c: {  	v8 =	vld.idx.msk [tilespmem:v3+s6+$0x0], $0xffff  }
0x13d: {  	v9 =	vld.idx.msk [tilespmem:v6+s9+$0x0], $0xffff  }
0x13e: {  	v10 =	vld.idx.msk [tilespmem:v3+s13+$0x0], $0xffff  }
0x13f: {  	v11 =	vld.idx.msk [tilespmem:v6+s5+$0x0], $0xffff  }
0x140: {  	v12 =	vld.idx.msk [tilespmem:v3+s0+$0x0], $0xffff  }
0x141: {  	v13 =	vld.idx.msk [tilespmem:v3+s16+$0x0], $0xffff  }
0x142: {  	v14 =	vld.idx.msk [tilespmem:v6+s17+$0x0], $0xffff  }
0x143: {  	v2 =	vshrl.u32 v1, $0x10;
	v15 =	vld.idx.msk [tilespmem:v3+s30+$0x0], $0xffff;
	v4 =	vand.u32 $0xFFFF, v1  }
0x144: {  	v1 =	vshrl.u32 v5, $0x10;
	v3 =	vand.u32 $0xFFFF, v5;
	v16 =	vld.idx.msk [tilespmem:v6+s31+$0x0], $0xffff;
	v5 =	vshrl.u32 v7, $0x10  }
0x145: {  	v7 =	vand.u32 $0xFFFF, v7;
	v17 =	vshll.u32 v10, $0x10;
	v18 =	vshll.u32 v8, $0x10  }
0x146: {  	v19 =	vshll.u32 v9, $0x10;
	v20 =	vshll.u32 v13, $0x10;
	v21 =	vshll.u32 v12, $0x10  }
0x147: {  	v6 =	vld.idx.msk [tilespmem:v6+s2+$0x0], $0xffff;
	v22 =	vshll.u32 v11, $0x10;
	v13 =	vand.u32 $0xFFFF0000, v13;
	v23 =	vshll.u32 v14, $0x10  }
0x148: {  	v14 =	vand.u32 $0xFFFF0000, v14;
	v24 =	vshll.u32 v15, $0x10;
	v15 =	vand.u32 $0xFFFF0000, v15  }
0x149: {  	v25 =	vshll.u32 v16, $0x10;
	v12 =	vand.u32 $0xFFFF0000, v12;
	v10 =	vand.u32 $0xFFFF0000, v10  }
0x14a: {  	v11 =	vand.u32 $0xFFFF0000, v11;
	v8 =	vand.u32 $0xFFFF0000, v8;
	v20 =	vmul.f32 v23, v20;
	v23 =	vld.idx.msk [tilespmem:v7+s16+$0x0], $0xffff  }
0x14b: {  	v13 =	vmul.f32 v14, v13;
	v14 =	vand.u32 $0xFFFF0000, v16;
	v16 =	vmul.f32 v25, v24;
	v24 =	vld.idx.msk [tilespmem:v5+s17+$0x0], $0xffff  }
0x14c: {  	v25 =	vld.idx.msk [tilespmem:v7+s30+$0x0], $0xffff;
	v10 =	vmul.f32 v11, v10;
	v14 =	vmul.f32 v14, v15;
	v15 =	vshll.u32 v6, $0x10  }
0x14d: {  	v11 =	vld.idx.msk [tilespmem:v4+s30+$0x0], $0xffff;
	v6 =	vand.u32 $0xFFFF0000, v6;
	v15 =	vmul.f32 v15, v21;
	v16 =	vadd.f32 v16, v20  }
0x14e: {  	v9 =	vand.u32 $0xFFFF0000, v9;
	v6 =	vmul.f32 v6, v12;
	v13 =	vadd.f32 v14, v13  }
0x14f: {  	v8 =	vmul.f32 v9, v8;
	v20 =	vld.idx.msk [tilespmem:v5+s31+$0x0], $0xffff;
	v14 =	vmul.f32 v22, v17;
	v15 =	vadd.f32 v15, v16  }
0x150: {  	v21 =	vld.idx.msk [tilespmem:v1+s17+$0x0], $0xffff;
	v6 =	vadd.f32 v6, v13;
	v13 =	vmul.f32 v19, v18;
	v9 =	vshll.u32 v23, $0x10  }
0x151: {  	v27 =	vld.idx.msk [tilespmem:v7+s0+$0x0], $0xffff;
	v17 =	vand.u32 $0xFFFF0000, v23;
	v18 =	vshll.u32 v24, $0x10;
	v19 =	vand.u32 $0xFFFF0000, v24  }
0x152: {  	v12 =	vld.idx.msk [tilespmem:v4+s16+$0x0], $0xffff;
	v22 =	vand.u32 $0xFFFF0000, v25;
	v26 =	vshll.u32 v11, $0x10;
	v11 =	vand.u32 $0xFFFF0000, v11  }
0x153: {  	v24 =	vld.idx.msk [tilespmem:v1+s31+$0x0], $0xffff;
	v14 =	vadd.f32 v14, v15;
	v9 =	vmul.f32 v18, v9;
	v17 =	vmul.f32 v19, v17  }
0x154: {  	v16 =	vld.idx.msk [tilespmem:v2+s17+$0x0], $0xffff;
	v6 =	vadd.f32 v10, v6;
	v23 =	vshll.u32 v20, $0x10;
	v20 =	vand.u32 $0xFFFF0000, v20  }
0x155: {  	v15 =	vld.idx.msk [tilespmem:v2+s31+$0x0], $0xffff;
	v31 =	vshll.u32 v21, $0x10;
	v21 =	vand.u32 $0xFFFF0000, v21;
	v13 =	vadd.f32 v13, v14  }
0x156: {  	v10 =	vld.idx.msk [tilespmem:v3+s16+$0x0], $0xffff;
	v20 =	vmul.f32 v20, v22;
	v22 =	vshll.u32 v27, $0x10;
	v6 =	vadd.f32 v8, v6  }
0x157: {  	v29 =	vld.idx.msk [tilespmem:v5+s2+$0x0], $0xffff;
	v8 =	vshll.u32 v25, $0x10;
	v25 =	vshll.u32 v12, $0x10;
	v12 =	vand.u32 $0xFFFF0000, v12  }
0x158: {  	v51 =	vshll.u32 v24, $0x10;
	v19 =	vand.u32 $0xFFFF0000, v24;
	v8 =	vmul.f32 v23, v8  }
0x159: {  	v14 =	vld.idx.msk [tilespmem:v3+s30+$0x0], $0xffff;
	v24 =	vand.u32 $0xFFFF0000, v27;
	v17 =	vadd.f32 v20, v17;
	v6 =	vadd.f32 v6, v13  }
0x15a: {  	v50 =	vld.idx.msk [tilespmem:v4+s0+$0x0], $0xffff;
	v13 =	vshll.u32 v16, $0x10;
	v16 =	vand.u32 $0xFFFF0000, v16;
	v28 =	vshll.u32 v15, $0x10  }
0x15b: {  	v18 =	vld.idx.msk [tilespmem:v2+s2+$0x0], $0xffff;
	v15 =	vand.u32 $0xFFFF0000, v15;
	v30 =	vshll.u32 v10, $0x10;
	v10 =	vand.u32 $0xFFFF0000, v10  }
0x15c: {  	v13 =	vmul.f32 v13, v25;
	v12 =	vmul.f32 v16, v12;
	v16 =	vshll.u32 v29, $0x10  }
0x15d: {  	v25 =	vmul.f32 v28, v26;
	v11 =	vmul.f32 v15, v11;
	v15 =	vand.u32 $0xFFFF0000, v29  }
0x15e: {  	v23 =	vld.idx.msk [tilespmem:v3+s0+$0x0], $0xffff;
	v8 =	vadd.f32 v8, v9;
	v49 =	vshll.u32 v14, $0x10;
	v14 =	vand.u32 $0xFFFF0000, v14  }
0x15f: {  	v27 =	vld.idx.msk [tilespmem:v1+s2+$0x0], $0xffff;
	v26 =	vmul.f32 v31, v30;
	v10 =	vmul.f32 v21, v10;
	v21 =	vshll.u32 v50, $0x10  }
0x160: {  	s8 =	simm.s32 $0x60;
	v53 =	vld.idx.msk [tilespmem:v4+s13+$0x0], $0xffff;
	v31 =	vshll.u32 v18, $0x10;
	v18 =	vand.u32 $0xFFFF0000, v18;
	v16 =	vmul.f32 v16, v22  }
0x161: {  	v57 =	vld [tilespmem:s8+$0x0];
	v29 =	vmul.f32 v51, v49;
	v14 =	vmul.f32 v19, v14;
	v19 =	vand.u32 $0xFFFF0000, v50  }
0x162: {  	v28 =	vld.idx.msk [tilespmem:v7+s13+$0x0], $0xffff;
	v13 =	vadd.f32 v25, v13;
	v11 =	vadd.f32 v11, v12;
	v12 =	vmul.f32 v15, v24  }
0x163: {  	v9 =	vld.idx.msk [tilespmem:v2+s5+$0x0], $0xffff;
	v21 =	vmul.f32 v31, v21;
	v52 =	vshll.u32 v23, $0x10;
	v23 =	vand.u32 $0xFFFF0000, v23  }
0x164: {  	v30 =	vld.idx.msk [tilespmem:v5+s5+$0x0], $0xffff;
	v54 =	vshll.u32 v27, $0x10;
	v20 =	vand.u32 $0xFFFF0000, v27;
	v18 =	vmul.f32 v18, v19  }
0x165: {  	v22 =	vld.idx.msk [tilespmem:v3+s13+$0x0], $0xffff;
	v27 =	vshll.u32 v53, $0x10;
	v8 =	vadd.f32 v16, v8;
	v24 =	vadd.f32 v29, v26  }
0x166: {  	v3 =	vld.idx.msk [tilespmem:v3+s6+$0x0], $0xffff;
	v10 =	vadd.f32 v14, v10;
	v25 =	vmul.f32 v54, v52;
	v20 =	vmul.f32 v20, v23  }
0x167: {  	v15 =	vld.idx.msk [tilespmem:v1+s5+$0x0], $0xffff;
	v29 =	vand.u32 $0xFFFF0000, v53;
	v12 =	vadd.f32 v12, v17;
	v13 =	vadd.f32 v21, v13  }
0x168: {  	v2 =	vld.idx.msk [tilespmem:v2+s9+$0x0], $0xffff;
	v14 =	vshll.u32 v28, $0x10;
	v19 =	vand.u32 $0xFFFF0000, v28;
	v11 =	vadd.f32 v18, v11  }
0x169: {  	v31 =	vld [tilespmem:s8+$0xFFFFFFF0];
	v23 =	vshll.u32 v30, $0x10;
	v26 =	vand.u32 $0xFFFF0000, v30;
	v30 =	vshll.u32 v9, $0x10  }
0x16a: {  	v5 =	vld.idx.msk [tilespmem:v5+s9+$0x0], $0xffff;
	v9 =	vand.u32 $0xFFFF0000, v9;
	v55 =	vshll.u32 v22, $0x10;
	v22 =	vand.u32 $0xFFFF0000, v22  }
0x16b: {  	v28 =	vld [tilespmem:s8+$0x10];
	v18 =	vadd.f32 v25, v24;
	v58 =	vshll.u32 v3, $0x10;
	v3 =	vand.u32 $0xFFFF0000, v3  }
0x16c: {  	v7 =	vld.idx.msk [tilespmem:v7+s6+$0x0], $0xffff;
	v56 =	vshll.u32 v15, $0x10;
	v15 =	vand.u32 $0xFFFF0000, v15;
	v14 =	vmul.f32 v23, v14  }
0x16d: {  	v16 =	vld.idx.msk [tilespmem:v4+s6+$0x0], $0xffff;
	v17 =	vmul.f32 v26, v19;
	v19 =	vadd.f32 v20, v10;
	v21 =	vmul.f32 v30, v27  }
0x16e: {  	v23 =	vmul.f32 v9, v29;
	v4 =	vshrl.u32 v31, $0x10;
	v9 =	vand.u32 $0xFFFF, v57  }
0x16f: {  	s10 =	simm.s32 $0xA0;
	v10 =	vand.u32 $0xFFFF, v31;
	v27 =	vshll.u32 v5, $0x10;
	v5 =	vand.u32 $0xFFFF0000, v5  }
0x170: {  	v53 =	vld [tilespmem:s10+$0x10];
	v31 =	vshll.u32 v2, $0x10;
	v2 =	vand.u32 $0xFFFF0000, v2;
	v20 =	vand.u32 $0xFFFF, v28  }
0x171: {  	v24 =	vld.idx.msk [tilespmem:v1+s9+$0x0], $0xffff;
	v26 =	vmul.f32 v56, v55;
	v15 =	vmul.f32 v15, v22;
	v22 =	vshll.u32 v7, $0x10  }
0x172: {  	v7 =	vand.u32 $0xFFFF0000, v7;
	v29 =	vshll.u32 v16, $0x10;
	v25 =	vshrl.u32 v28, $0x10;
	v28 =	vld [tilespmem:s8+$0xFFFFFFE0]  }
0x173: {  	v16 =	vand.u32 $0xFFFF0000, v16;
	v8 =	vadd.f32 v14, v8;
	v14 =	vmul.f32 v27, v22;
	v27 =	vld.idx.msk [tilespmem:v9+s30+$0x0], $0xffff  }
0x174: {  	v12 =	vadd.f32 v17, v12;
	v5 =	vmul.f32 v5, v7;
	v7 =	vadd.f32 v21, v13;
	v50 =	vld.idx.msk [tilespmem:v10+s13+$0x0], $0xffff  }
0x175: {  	v13 =	vadd.f32 v23, v11;
	v11 =	vmul.f32 v31, v29;
	v2 =	vmul.f32 v2, v16;
	v30 =	vld.idx.msk [tilespmem:v20+s6+$0x0], $0xffff  }
0x176: {  	v18 =	vadd.f32 v26, v18;
	v15 =	vadd.f32 v15, v19;
	v60 =	vshll.u32 v24, $0x10;
	v59 =	vld.idx.msk [tilespmem:v20+s13+$0x0], $0xffff  }
0x177: {  	v24 =	vand.u32 $0xFFFF0000, v24;
	v8 =	vadd.f32 v14, v8;
	v5 =	vadd.f32 v5, v12;
	v61 =	vld.idx.msk [tilespmem:v25+s5+$0x0], $0xffff  }
0x178: {  	v7 =	vadd.f32 v11, v7;
	v14 =	vmul.f32 v60, v58;
	v12 =	vmul.f32 v24, v3;
	v17 =	vld.idx.msk [tilespmem:v20+s0+$0x0], $0xffff  }
0x179: {  	v13 =	vadd.f32 v2, v13;
	v3 =	vadd.f32 v5, v8;
	v21 =	vld.idx.msk [tilespmem:v20+s16+$0x0], $0xffff  }
0x17a: {  	v6 =	vmul.f32 v6, v0;
	v2 =	vadd.f32 v14, v18;
	v8 =	vadd.f32 v12, v15;
	v19 =	vld.idx.msk [tilespmem:v25+s17+$0x0], $0xffff  }
0x17b: {  	v1 =	vshrl.u32 v57, $0x10;
	v60 =	vshrl.u32 v53, $0x10;
	v5 =	vadd.f32 v13, v7;
	v16 =	vld.idx.msk [tilespmem:v20+s30+$0x0], $0xffff  }
0x17c: {  	v11 =	vshrl.u32 v28, $0x10;
	v20 =	vld.idx.msk [tilespmem:v25+s31+$0x0], $0xffff;
	v14 =	vand.u32 $0xFFFF, v28;
	v2 =	vadd.f32 v8, v2  }
0x17d: {  	v37 =	vshll.u32 v27, $0x10;
	v27 =	vand.u32 $0xFFFF0000, v27;
	v52 =	vshll.u32 v50, $0x10  }
0x17e: {  	v12 =	vld.idx.msk [tilespmem:v25+s2+$0x0], $0xffff;
	v54 =	vand.u32 $0xFFFF0000, v50;
	v7 =	vshll.u32 v59, $0x10;
	v15 =	vshll.u32 v21, $0x10  }
0x17f: {  	v18 =	vshll.u32 v17, $0x10;
	v22 =	vshll.u32 v61, $0x10;
	v21 =	vand.u32 $0xFFFF0000, v21  }
0x180: {  	v23 =	vshll.u32 v19, $0x10;
	v19 =	vand.u32 $0xFFFF0000, v19;
	v24 =	vshll.u32 v16, $0x10  }
0x181: {  	v16 =	vand.u32 $0xFFFF0000, v16;
	v26 =	vshll.u32 v20, $0x10;
	v20 =	vand.u32 $0xFFFF0000, v20  }
0x182: {  	v25 =	vld.idx.msk [tilespmem:v25+s9+$0x0], $0xffff;
	v17 =	vand.u32 $0xFFFF0000, v17;
	v15 =	vmul.f32 v23, v15;
	v19 =	vmul.f32 v19, v21  }
0x183: {  	v21 =	vld.idx.msk [tilespmem:v14+s16+$0x0], $0xffff;
	v23 =	vmul.f32 v26, v24;
	v16 =	vmul.f32 v20, v16;
	v20 =	vshll.u32 v12, $0x10  }
0x184: {  	v12 =	vand.u32 $0xFFFF0000, v12;
	v7 =	vmul.f32 v22, v7;
	v22 =	vld.idx.msk [tilespmem:v10+s16+$0x0], $0xffff;
	v18 =	vmul.f32 v20, v18  }
0x185: {  	v26 =	vld.idx.msk [tilespmem:v10+s30+$0x0], $0xffff;
	v12 =	vmul.f32 v12, v17;
	v15 =	vadd.f32 v23, v15;
	v16 =	vadd.f32 v16, v19  }
0x186: {  	v13 =	vshll.u32 v30, $0x10;
	v24 =	vld.idx.msk [tilespmem:v11+s17+$0x0], $0xffff;
	v19 =	vand.u32 $0xFFFF0000, v59;
	v23 =	vand.u32 $0xFFFF0000, v61  }
0x187: {  	v17 =	vld.idx.msk [tilespmem:v11+s31+$0x0], $0xffff;
	v15 =	vadd.f32 v18, v15;
	v12 =	vadd.f32 v12, v16;
	v16 =	vmul.f32 v23, v19  }
0x188: {  	v18 =	vshll.u32 v25, $0x10;
	v23 =	vand.u32 $0xFFFF0000, v30;
	v25 =	vand.u32 $0xFFFF0000, v25  }
0x189: {  	v20 =	vld.idx.msk [tilespmem:v14+s30+$0x0], $0xffff;
	v13 =	vmul.f32 v18, v13;
	v18 =	vshll.u32 v21, $0x10;
	v21 =	vand.u32 $0xFFFF0000, v21  }
0x18a: {  	v30 =	vld.idx.msk [tilespmem:v1+s31+$0x0], $0xffff;
	v29 =	vshll.u32 v22, $0x10;
	v31 =	vshll.u32 v26, $0x10;
	v26 =	vand.u32 $0xFFFF0000, v26  }
0x18b: {  	v62 =	vld.idx.msk [tilespmem:v14+s0+$0x0], $0xffff;
	v7 =	vadd.f32 v7, v15;
	v12 =	vadd.f32 v16, v12;
	v16 =	vmul.f32 v25, v23  }
0x18c: {  	v38 =	vld.idx.msk [tilespmem:v10+s0+$0x0], $0xffff;
	v25 =	vshll.u32 v24, $0x10;
	v24 =	vand.u32 $0xFFFF0000, v24;
	v28 =	vshll.u32 v17, $0x10  }
0x18d: {  	v19 =	vld.idx.msk [tilespmem:v4+s17+$0x0], $0xffff;
	v17 =	vand.u32 $0xFFFF0000, v17;
	v18 =	vmul.f32 v25, v18;
	v21 =	vmul.f32 v24, v21  }
0x18e: {  	v15 =	vld.idx.msk [tilespmem:v4+s31+$0x0], $0xffff;
	v7 =	vadd.f32 v13, v7;
	v12 =	vadd.f32 v16, v12;
	v16 =	vshll.u32 v20, $0x10  }
0x18f: {  	v23 =	vld.idx.msk [tilespmem:v9+s16+$0x0], $0xffff;
	v20 =	vand.u32 $0xFFFF0000, v20;
	v39 =	vshll.u32 v30, $0x10;
	v25 =	vand.u32 $0xFFFF0000, v30  }
0x190: {  	v42 =	vld.idx.msk [tilespmem:v11+s2+$0x0], $0xffff;
	v16 =	vmul.f32 v28, v16;
	v17 =	vmul.f32 v17, v20;
	v28 =	vshll.u32 v62, $0x10  }
0x191: {  	v30 =	vand.u32 $0xFFFF0000, v62;
	v7 =	vadd.f32 v12, v7;
	v12 =	vand.u32 $0xFFFF0000, v22  }
0x192: {  	v22 =	vshll.u32 v19, $0x10;
	v19 =	vand.u32 $0xFFFF0000, v19;
	v45 =	vmul.f32 v39, v37  }
0x193: {  	v24 =	vld.idx.msk [tilespmem:v4+s2+$0x0], $0xffff;
	v25 =	vmul.f32 v25, v27;
	v27 =	vand.u32 $0xFFFF0000, v38;
	v63 =	vshll.u32 v15, $0x10  }
0x194: {  	v13 =	vld.idx.msk [tilespmem:v1+s17+$0x0], $0xffff;
	v15 =	vand.u32 $0xFFFF0000, v15;
	v43 =	vshll.u32 v23, $0x10;
	v23 =	vand.u32 $0xFFFF0000, v23  }
0x195: {  	v46 =	vld.idx.msk [tilespmem:v14+s13+$0x0], $0xffff;
	v22 =	vmul.f32 v22, v29;
	v12 =	vmul.f32 v19, v12;
	v19 =	vshll.u32 v42, $0x10  }
0x196: {  	v20 =	vld.idx.msk [tilespmem:v9+s0+$0x0], $0xffff;
	v16 =	vadd.f32 v16, v18;
	v17 =	vadd.f32 v17, v21;
	v7 =	vmul.f32 v7, v0  }
0x197: {  	v31 =	vmul.f32 v63, v31;
	v15 =	vmul.f32 v15, v26;
	v26 =	vand.u32 $0xFFFF0000, v42  }
0x198: {  	v29 =	vld.idx.msk [tilespmem:v1+s2+$0x0], $0xffff;
	v47 =	vshll.u32 v24, $0x10;
	v24 =	vand.u32 $0xFFFF0000, v24;
	v19 =	vmul.f32 v19, v28  }
0x199: {  	v36 =	vshll.u32 v13, $0x10;
	v13 =	vand.u32 $0xFFFF0000, v13;
	v24 =	vmul.f32 v24, v27  }
0x19a: {  	v18 =	vld.idx.msk [tilespmem:v4+s5+$0x0], $0xffff;
	v27 =	vand.u32 $0xFFFF0000, v46;
	v44 =	vmul.f32 v36, v43;
	v13 =	vmul.f32 v13, v23  }
0x19b: {  	v56 =	vld [tilespmem:s10+$0xFFFFFFF0];
	v23 =	vshll.u32 v38, $0x10;
	v49 =	vshll.u32 v20, $0x10;
	v20 =	vand.u32 $0xFFFF0000, v20  }
0x19c: {  	v4 =	vld.idx.msk [tilespmem:v4+s9+$0x0], $0xffff;
	v22 =	vadd.f32 v31, v22;
	v12 =	vadd.f32 v15, v12;
	v15 =	vmul.f32 v26, v30  }
0x19d: {  	v48 =	vld.idx.msk [tilespmem:v11+s5+$0x0], $0xffff;
	v16 =	vadd.f32 v19, v16;
	v23 =	vmul.f32 v47, v23;
	v51 =	vshll.u32 v29, $0x10  }
0x19e: {  	v28 =	vld.idx.msk [tilespmem:v9+s13+$0x0], $0xffff;
	v21 =	vand.u32 $0xFFFF0000, v29;
	v26 =	vadd.f32 v45, v44;
	v13 =	vadd.f32 v25, v13  }
0x19f: {  	v59 =	vld [tilespmem:s10+$0x0];
	v25 =	vshll.u32 v46, $0x10;
	v55 =	vshll.u32 v18, $0x10;
	v18 =	vand.u32 $0xFFFF0000, v18  }
0x1a0: {  	v14 =	vld.idx.msk [tilespmem:v14+s6+$0x0], $0xffff;
	v15 =	vadd.f32 v15, v17;
	v24 =	vadd.f32 v24, v12;
	v12 =	vand.u32 $0xFFFF, v56  }
0x1a1: {  	v31 =	vld.idx.msk [tilespmem:v11+s9+$0x0], $0xffff;
	v45 =	vshll.u32 v4, $0x10;
	v4 =	vand.u32 $0xFFFF0000, v4;
	v30 =	vmul.f32 v51, v49  }
0x1a2: {  	v19 =	vld [tilespmem:s10+$0xFFFFFFE0];
	v11 =	vmul.f32 v21, v20;
	v20 =	vshll.u32 v48, $0x10;
	v21 =	vand.u32 $0xFFFF0000, v48  }
0x1a3: {  	v29 =	vld.idx.msk [tilespmem:v1+s5+$0x0], $0xffff;
	v57 =	vshll.u32 v28, $0x10;
	v28 =	vand.u32 $0xFFFF0000, v28;
	v22 =	vadd.f32 v23, v22  }
0x1a4: {  	v23 =	vld.idx.msk [tilespmem:v10+s6+$0x0], $0xffff;
	v18 =	vmul.f32 v18, v54;
	v10 =	vand.u32 $0xFFFF, v59;
	v20 =	vmul.f32 v20, v25  }
0x1a5: {  	v1 =	vld.idx.msk [tilespmem:v1+s9+$0x0], $0xffff;
	v21 =	vmul.f32 v21, v27;
	v27 =	vand.u32 $0xFFFF, v53;
	v25 =	vadd.f32 v30, v26  }
0x1a6: {  	v26 =	vadd.f32 v11, v13;
	v30 =	vld.idx.msk [tilespmem:v9+s6+$0x0], $0xffff;
	v11 =	vshrl.u32 v56, $0x10;
	v9 =	vshrl.u32 v59, $0x10  }
0x1a7: {  	v13 =	vshrl.u32 v19, $0x10;
	v62 =	vshll.u32 v31, $0x10;
	v31 =	vand.u32 $0xFFFF0000, v31  }
0x1a8: {  	v18 =	vadd.f32 v18, v24;
	v19 =	vand.u32 $0xFFFF, v19;
	v16 =	vadd.f32 v20, v16  }
0x1a9: {  	v15 =	vadd.f32 v21, v15;
	v58 =	vshll.u32 v29, $0x10;
	v17 =	vand.u32 $0xFFFF0000, v29  }
0x1aa: {  	v47 =	vld.idx.msk [tilespmem:v60+s9+$0x0], $0xffff;
	v29 =	vmul.f32 v55, v52;
	v40 =	vshll.u32 v1, $0x10;
	v1 =	vand.u32 $0xFFFF0000, v1  }
0x1ab: {  	v21 =	vld.idx.msk [tilespmem:v60+s5+$0x0], $0xffff;
	v61 =	vmul.f32 v58, v57;
	v17 =	vmul.f32 v17, v28;
	v28 =	vshll.u32 v14, $0x10  }
0x1ac: {  	v14 =	vand.u32 $0xFFFF0000, v14;
	v63 =	vshll.u32 v23, $0x10;
	v23 =	vand.u32 $0xFFFF0000, v23;
	v57 =	vld.idx.msk [tilespmem:v12+s0+$0x0], $0xffff  }
0x1ad: {  	v44 =	vld.idx.msk [tilespmem:v27+s6+$0x0], $0xffff;
	v20 =	vmul.f32 v62, v28;
	v14 =	vmul.f32 v31, v14;
	v22 =	vadd.f32 v29, v22  }
0x1ae: {  	v41 =	vld.idx.msk [tilespmem:v27+s13+$0x0], $0xffff;
	v28 =	vmul.f32 v45, v63;
	v4 =	vmul.f32 v4, v23;
	v46 =	vshll.u32 v30, $0x10  }
0x1af: {  	v24 =	vld.idx.msk [tilespmem:v27+s0+$0x0], $0xffff;
	v30 =	vand.u32 $0xFFFF0000, v30;
	v25 =	vadd.f32 v61, v25;
	v17 =	vadd.f32 v17, v26  }
0x1b0: {  	v23 =	vld.idx.msk [tilespmem:v60+s17+$0x0], $0xffff;
	v16 =	vadd.f32 v20, v16;
	v20 =	vmul.f32 v40, v46;
	v14 =	vadd.f32 v14, v15  }
0x1b1: {  	v26 =	vld.idx.msk [tilespmem:v27+s16+$0x0], $0xffff;
	v22 =	vadd.f32 v28, v22;
	v28 =	vmul.f32 v1, v30;
	v18 =	vadd.f32 v4, v18  }
0x1b2: {  	v27 =	vld.idx.msk [tilespmem:v27+s30+$0x0], $0xffff;
	v15 =	vmul.f32 v3, v0;
	v1 =	vadd.f32 v20, v25;
	v4 =	vadd.f32 v14, v16  }
0x1b3: {  	v50 =	vld.idx.msk [tilespmem:v9+s31+$0x0], $0xffff;
	v3 =	vadd.f32 v28, v17;
	v16 =	vmul.f32 v5, v0;
	v5 =	vadd.f32 v18, v22  }
0x1b4: {  	v52 =	vld.idx.msk [tilespmem:v19+s0+$0x0], $0xffff;
	v18 =	vshll.u32 v47, $0x10;
	v28 =	vshll.u32 v21, $0x10;
	v21 =	vand.u32 $0xFFFF0000, v21  }
0x1b5: {  	v42 =	vld.idx.msk [tilespmem:v11+s2+$0x0], $0xffff;
	v62 =	vshll.u32 v57, $0x10;
	v40 =	vand.u32 $0xFFFF0000, v57;
	v14 =	vshll.u32 v41, $0x10  }
0x1b6: {  	v20 =	vld.idx.msk [tilespmem:v60+s31+$0x0], $0xffff;
	v17 =	vshll.u32 v44, $0x10;
	v25 =	vshll.u32 v24, $0x10;
	v29 =	vshll.u32 v23, $0x10  }
0x1b7: {  	v8 =	vld.idx.msk [tilespmem:v60+s2+$0x0], $0xffff;
	v23 =	vand.u32 $0xFFFF0000, v23;
	v24 =	vand.u32 $0xFFFF0000, v24;
	v22 =	vshll.u32 v26, $0x10  }
0x1b8: {  	v26 =	vand.u32 $0xFFFF0000, v26;
	v30 =	vshll.u32 v27, $0x10;
	v27 =	vand.u32 $0xFFFF0000, v27  }
0x1b9: {  	v14 =	vmul.f32 v28, v14;
	v17 =	vmul.f32 v18, v17;
	v45 =	vshll.u32 v50, $0x10  }
0x1ba: {  	v18 =	vld.idx.msk [tilespmem:v11+s31+$0x0], $0xffff;
	v35 =	vand.u32 $0xFFFF0000, v52;
	v63 =	vshll.u32 v42, $0x10;
	v22 =	vmul.f32 v29, v22  }
0x1bb: {  	v23 =	vmul.f32 v23, v26;
	v26 =	vld.idx.msk [tilespmem:v13+s17+$0x0], $0xffff;
	v31 =	vshll.u32 v20, $0x10;
	v20 =	vand.u32 $0xFFFF0000, v20  }
0x1bc: {  	v29 =	vmul.f32 v31, v30;
	v20 =	vmul.f32 v20, v27;
	v27 =	vshll.u32 v8, $0x10  }
0x1bd: {  	v42 =	vand.u32 $0xFFFF0000, v42;
	v8 =	vand.u32 $0xFFFF0000, v8;
	v31 =	vld.idx.msk [tilespmem:v9+s17+$0x0], $0xffff;
	v25 =	vmul.f32 v27, v25  }
0x1be: {  	v48 =	vld.idx.msk [tilespmem:v19+s16+$0x0], $0xffff;
	v8 =	vmul.f32 v8, v24;
	v24 =	vand.u32 $0xFFFF0000, v41;
	v22 =	vadd.f32 v29, v22  }
0x1bf: {  	v27 =	vld.idx.msk [tilespmem:v13+s31+$0x0], $0xffff;
	v55 =	vshll.u32 v18, $0x10;
	v18 =	vand.u32 $0xFFFF0000, v18;
	v20 =	vadd.f32 v20, v23  }
0x1c0: {  	v23 =	vld.idx.msk [tilespmem:v12+s16+$0x0], $0xffff;
	v29 =	vshll.u32 v26, $0x10;
	v26 =	vand.u32 $0xFFFF0000, v26;
	v22 =	vadd.f32 v25, v22  }
0x1c1: {  	v8 =	vadd.f32 v8, v20;
	v20 =	vmul.f32 v21, v24;
	v24 =	vand.u32 $0xFFFF0000, v44  }
0x1c2: {  	v30 =	vld.idx.msk [tilespmem:v19+s30+$0x0], $0xffff;
	v25 =	vand.u32 $0xFFFF0000, v47;
	v58 =	vshll.u32 v31, $0x10;
	v31 =	vand.u32 $0xFFFF0000, v31  }
0x1c3: {  	v21 =	vld.idx.msk [tilespmem:v12+s30+$0x0], $0xffff;
	v14 =	vadd.f32 v14, v22;
	v8 =	vadd.f32 v20, v8;
	v20 =	vmul.f32 v25, v24  }
0x1c4: {  	v46 =	vld.idx.msk [tilespmem:v10+s0+$0x0], $0xffff;
	v24 =	vshll.u32 v48, $0x10;
	v25 =	vand.u32 $0xFFFF0000, v48;
	v49 =	vshll.u32 v27, $0x10  }
0x1c5: {  	v59 =	vld.idx.msk [tilespmem:v19+s13+$0x0], $0xffff;
	v27 =	vand.u32 $0xFFFF0000, v27;
	v51 =	vshll.u32 v23, $0x10;
	v24 =	vmul.f32 v29, v24  }
0x1c6: {  	v28 =	vld.idx.msk [tilespmem:v11+s17+$0x0], $0xffff;
	v25 =	vmul.f32 v26, v25;
	v26 =	vand.u32 $0xFFFF0000, v50;
	v14 =	vadd.f32 v17, v14  }
0x1c7: {  	v22 =	vld.idx.msk [tilespmem:v10+s16+$0x0], $0xffff;
	v8 =	vadd.f32 v20, v8;
	v20 =	vshll.u32 v30, $0x10;
	v30 =	vand.u32 $0xFFFF0000, v30  }
0x1c8: {  	s1 =	simm.s32 $0x3920;
	v60 =	vld.idx.msk [tilespmem:v13+s5+$0x0], $0xffff;
	v53 =	vshll.u32 v21, $0x10;
	v21 =	vand.u32 $0xFFFF0000, v21;
	v32 =	vmul.f32 v49, v20  }
0x1c9: {  	[tilespmem:s1+$0xFFFFFFE0] =	vst v15;
	v15 =	vld.idx.msk [tilespmem:v11+s9+$0x0], $0xffff;
	v27 =	vmul.f32 v27, v30;
	v30 =	vshll.u32 v52, $0x10;
	v49 =	vshll.u32 v46, $0x10  }
0x1ca: {  	v29 =	vld.idx.msk [tilespmem:v9+s2+$0x0], $0xffff;
	v46 =	vand.u32 $0xFFFF0000, v46;
	v8 =	vadd.f32 v8, v14;
	v14 =	vand.u32 $0xFFFF0000, v23  }
0x1cb: {  	[tilespmem:s1+$0x10] =	vst v6;
	s10 =	simm.s32 $0x3960;
	v17 =	vld.idx.msk [tilespmem:v10+s30+$0x0], $0xffff;
	v23 =	vshll.u32 v28, $0x10;
	v28 =	vand.u32 $0xFFFF0000, v28;
	v36 =	vmul.f32 v55, v53  }
0x1cc: {  	[tilespmem:s10+$0x10] =	vst v7;
	v61 =	vmul.f32 v18, v21;
	v18 =	vld.idx.msk [tilespmem:v11+s5+$0x0], $0xffff;
	v11 =	vshll.u32 v59, $0x10;
	v56 =	vshll.u32 v22, $0x10  }
0x1cd: {  	[tilespmem:s1+$0xFFFFFFF0] =	vst v16;
	v22 =	vand.u32 $0xFFFF0000, v22;
	v23 =	vmul.f32 v23, v51;
	v28 =	vmul.f32 v28, v14  }
0x1ce: {  	v16 =	vld.idx.msk [tilespmem:v10+s6+$0x0], $0xffff;
	v6 =	vadd.f32 v32, v24;
	v7 =	vadd.f32 v27, v25;
	v27 =	vmul.f32 v63, v62  }
0x1cf: {  	v32 =	vshll.u32 v60, $0x10;
	v54 =	vmul.f32 v8, v0;
	v8 =	vld.idx.msk [tilespmem:v13+s2+$0x0], $0xffff;
	v39 =	vmul.f32 v58, v56  }
0x1d0: {  	v14 =	vld.idx.msk [tilespmem:v19+s6+$0x0], $0xffff;
	v31 =	vmul.f32 v31, v22;
	v50 =	vshll.u32 v29, $0x10;
	v43 =	vshll.u32 v17, $0x10  }
0x1d1: {  	v19 =	vand.u32 $0xFFFF0000, v29;
	v44 =	vand.u32 $0xFFFF0000, v17;
	v17 =	vld.idx.msk [tilespmem:v12+s13+$0x0], $0xffff;
	v43 =	vmul.f32 v45, v43  }
0x1d2: {  	v20 =	vld.idx.msk [tilespmem:v10+s13+$0x0], $0xffff;
	v29 =	vand.u32 $0xFFFF0000, v59;
	v22 =	vadd.f32 v61, v28;
	v28 =	vmul.f32 v42, v40  }
0x1d3: {  	v21 =	vld.idx.msk [tilespmem:v9+s5+$0x0], $0xffff;
	v10 =	vmul.f32 v19, v46;
	v44 =	vmul.f32 v26, v44;
	v24 =	vadd.f32 v43, v39  }
0x1d4: {  	v13 =	vld.idx.msk [tilespmem:v13+s9+$0x0], $0xffff;
	v47 =	vshll.u32 v8, $0x10;
	v48 =	vand.u32 $0xFFFF0000, v8;
	v8 =	vadd.f32 v36, v23  }
0x1d5: {  	s8 =	simm.s32 $0x39A0;
	v12 =	vld.idx.msk [tilespmem:v12+s6+$0x0], $0xffff;
	v23 =	vadd.f32 v44, v31;
	v31 =	vand.u32 $0xFFFF0000, v60;
	v25 =	vmul.f32 v47, v30  }
0x1d6: {  	s4 =	simm.s32 $0x8;
	s7 =	simm.s32 $0xE0;
	v19 =	vld.idx.msk [tilespmem:v9+s9+$0x0], $0xffff;
	[tilespmem:s8+$0x10] =	vst v54;
	v26 =	vmul.f32 v48, v35;
	v30 =	vmul.f32 v50, v49;
	v9 =	vshll.u32 v17, $0x10  }
.LBB2_5:
0x1d7: {  	v33 =	vld [tilespmem:s7+$0x10];
	v17 =	vand.u32 $0xFFFF0000, v17;
	v34 =	vshll.u32 v18, $0x10;
	v18 =	vand.u32 $0xFFFF0000, v18  }
0x1d8: {  	v36 =	vshll.u32 v20, $0x10;
	v20 =	vand.u32 $0xFFFF0000, v20;
	v37 =	vshll.u32 v21, $0x10;
	v35 =	vld [tilespmem:s7+$0xFFFFFFF0]  }
0x1d9: {  	v25 =	vadd.f32 v25, v6;
	v26 =	vadd.f32 v26, v7;
	v21 =	vand.u32 $0xFFFF0000, v21;
	v38 =	vld [tilespmem:s7+$0x0]  }
0x1da: {  	v32 =	vmul.f32 v32, v11;
	v27 =	vadd.f32 v27, v8;
	v22 =	vadd.f32 v28, v22;
	v39 =	vld [tilespmem:s7+$0xFFFFFFE0]  }
0x1db: {  	v28 =	vmul.f32 v31, v29;
	v24 =	vadd.f32 v30, v24;
	v23 =	vadd.f32 v10, v23  }
0x1dc: {  	v30 =	vmul.f32 v34, v9;
	v17 =	vmul.f32 v18, v17;
	v29 =	vand.u32 $0xFFFF, v33  }
0x1dd: {  	v18 =	vshrl.u32 v33, $0x10;
	v8 =	vshrl.u32 v35, $0x10;
	v9 =	vand.u32 $0xFFFF, v35  }
0x1de: {  	v31 =	vmul.f32 v37, v36;
	v6 =	vshrl.u32 v38, $0x10;
	v7 =	vand.u32 $0xFFFF, v38  }
0x1df: {  	v20 =	vmul.f32 v21, v20;
	v10 =	vshrl.u32 v39, $0x10;
	v11 =	vand.u32 $0xFFFF, v39  }
0x1e0: {  	s4 =	sadd.s32 $0x4, s4;
	v21 =	vshll.u32 v14, $0x10;
	v14 =	vand.u32 $0xFFFF0000, v14;
	v33 =	vshll.u32 v13, $0x10  }
0x1e1: {  	p0 =	slt.u32 s4, $0xFC;
	v13 =	vand.u32 $0xFFFF0000, v13;
	v35 =	vshll.u32 v12, $0x10;
	v12 =	vand.u32 $0xFFFF0000, v12;
	v34 =	vld.idx.msk [tilespmem:v29+s6+$0x0], $0xffff  }
0x1e2: {  	v37 =	vshll.u32 v15, $0x10;
	v15 =	vand.u32 $0xFFFF0000, v15;
	v38 =	vshll.u32 v16, $0x10;
	v36 =	vld.idx.msk [tilespmem:v18+s9+$0x0], $0xffff  }
0x1e3: {  	v40 =	vshll.u32 v19, $0x10;
	v19 =	vand.u32 $0xFFFF0000, v19;
	v16 =	vand.u32 $0xFFFF0000, v16;
	v39 =	vld.idx.msk [tilespmem:v29+s13+$0x0], $0xffff  }
0x1e4: {  	v25 =	vadd.f32 v32, v25;
	v26 =	vadd.f32 v28, v26;
	v21 =	vmul.f32 v33, v21;
	v41 =	vld.idx.msk [tilespmem:v18+s5+$0x0], $0xffff  }
0x1e5: {  	v17 =	vadd.f32 v17, v22;
	v13 =	vmul.f32 v13, v14;
	v14 =	vadd.f32 v30, v27;
	v28 =	vld.idx.msk [tilespmem:v29+s0+$0x0], $0xffff  }
0x1e6: {  	v24 =	vadd.f32 v31, v24;
	v20 =	vadd.f32 v20, v23;
	v27 =	vmul.f32 v37, v35;
	v22 =	vld.idx.msk [tilespmem:v29+s16+$0x0], $0xffff  }
0x1e7: {  	v12 =	vmul.f32 v15, v12;
	v21 =	vadd.f32 v21, v25;
	v15 =	vmul.f32 v40, v38;
	v23 =	vld.idx.msk [tilespmem:v18+s17+$0x0], $0xffff  }
0x1e8: {  	v13 =	vadd.f32 v13, v26;
	v16 =	vmul.f32 v19, v16;
	v14 =	vadd.f32 v27, v14;
	v25 =	vld.idx.msk [tilespmem:v29+s30+$0x0], $0xffff  }
0x1e9: {  	v12 =	vadd.f32 v12, v17;
	v17 =	vmul.f32 v4, v0;
	v15 =	vadd.f32 v15, v24;
	v19 =	vld.idx.msk [tilespmem:v18+s31+$0x0], $0xffff  }
0x1ea: {  	v4 =	vadd.f32 v13, v21;
	v13 =	vadd.f32 v16, v20;
	v16 =	vmul.f32 v5, v0;
	v24 =	vld.idx.msk [tilespmem:v11+s16+$0x0], $0xffff  }
0x1eb: {  	v5 =	vadd.f32 v12, v14;
	v12 =	vmul.f32 v2, v0;
	v2 =	vadd.f32 v3, v1;
	v18 =	vld.idx.msk [tilespmem:v18+s2+$0x0], $0xffff  }
0x1ec: {  	v1 =	vmovc v15;
	v3 =	vmovc v13;
	v21 =	vshll.u32 v34, $0x10;
	v26 =	vshll.u32 v36, $0x10;
	v20 =	vshll.u32 v39, $0x10;
	v14 =	vld.idx.msk [tilespmem:v10+s17+$0x0], $0xffff;
	[tilespmem:s10+$0xFFFFFFE0] =	vst v17  }
0x1ed: {  	v27 =	vshll.u32 v41, $0x10;
	v15 =	vshll.u32 v22, $0x10;
	v17 =	vshll.u32 v28, $0x10;
	v13 =	vld.idx.msk [tilespmem:v11+s30+$0x0], $0xffff;
	[tilespmem:s10+$0xFFFFFFF0] =	vst v16  }
0x1ee: {  	v22 =	vand.u32 $0xFFFF0000, v22;
	v29 =	vshll.u32 v23, $0x10;
	v23 =	vand.u32 $0xFFFF0000, v23;
	v16 =	vld.idx.msk [tilespmem:v10+s31+$0x0], $0xffff;
	[tilespmem:s1+$0x0] =	vst v12;
	s1 =	smov.u32 s10;
	s10 =	smov.u32 s8  }
0x1ef: {  	v30 =	vshll.u32 v25, $0x10;
	v25 =	vand.u32 $0xFFFF0000, v25;
	v31 =	vshll.u32 v19, $0x10;
	v12 =	vld.idx.msk [tilespmem:v9+s16+$0x0], $0xffff  }
0x1f0: {  	v15 =	vmul.f32 v29, v15;
	v22 =	vmul.f32 v23, v22;
	v19 =	vand.u32 $0xFFFF0000, v19;
	v32 =	vld.idx.msk [tilespmem:v8+s17+$0x0], $0xffff  }
0x1f1: {  	v29 =	vmul.f32 v31, v30;
	v19 =	vmul.f32 v19, v25;
	v25 =	vshll.u32 v18, $0x10;
	v23 =	vld.idx.msk [tilespmem:v9+s30+$0x0], $0xffff  }
0x1f2: {  	v28 =	vand.u32 $0xFFFF0000, v28;
	v18 =	vand.u32 $0xFFFF0000, v18;
	v17 =	vmul.f32 v25, v17;
	v30 =	vld.idx.msk [tilespmem:v8+s31+$0x0], $0xffff  }
0x1f3: {  	v15 =	vadd.f32 v29, v15;
	v19 =	vadd.f32 v19, v22;
	v18 =	vmul.f32 v18, v28;
	v25 =	vld.idx.msk [tilespmem:v7+s16+$0x0], $0xffff  }
0x1f4: {  	v20 =	vmul.f32 v27, v20;
	v28 =	vand.u32 $0xFFFF0000, v39;
	v29 =	vand.u32 $0xFFFF0000, v41;
	v22 =	vld.idx.msk [tilespmem:v6+s17+$0x0], $0xffff  }
0x1f5: {  	v15 =	vadd.f32 v17, v15;
	v17 =	vadd.f32 v18, v19;
	v18 =	vmul.f32 v29, v28;
	v27 =	vld.idx.msk [tilespmem:v7+s30+$0x0], $0xffff  }
0x1f6: {  	v21 =	vmul.f32 v26, v21;
	v28 =	vand.u32 $0xFFFF0000, v34;
	v29 =	vand.u32 $0xFFFF0000, v36;
	v19 =	vld.idx.msk [tilespmem:v6+s31+$0x0], $0xffff  }
0x1f7: {  	v15 =	vadd.f32 v20, v15;
	v17 =	vadd.f32 v18, v17;
	v18 =	vmul.f32 v29, v28;
	v26 =	vld.idx.msk [tilespmem:v11+s0+$0x0], $0xffff  }
0x1f8: {  	v20 =	vshll.u32 v24, $0x10;
	v24 =	vand.u32 $0xFFFF0000, v24;
	v28 =	vshll.u32 v14, $0x10;
	v29 =	vld.idx.msk [tilespmem:v10+s2+$0x0], $0xffff  }
0x1f9: {  	v14 =	vand.u32 $0xFFFF0000, v14;
	v15 =	vadd.f32 v21, v15;
	v17 =	vadd.f32 v18, v17;
	v31 =	vld.idx.msk [tilespmem:v9+s0+$0x0], $0xffff  }
0x1fa: {  	v33 =	vshll.u32 v16, $0x10;
	v21 =	vshll.u32 v13, $0x10;
	v13 =	vand.u32 $0xFFFF0000, v13;
	v34 =	vld.idx.msk [tilespmem:v8+s2+$0x0], $0xffff  }
0x1fb: {  	v16 =	vand.u32 $0xFFFF0000, v16;
	v35 =	vshll.u32 v12, $0x10;
	v15 =	vadd.f32 v17, v15;
	v36 =	vld.idx.msk [tilespmem:v7+s0+$0x0], $0xffff  }
0x1fc: {  	v12 =	vand.u32 $0xFFFF0000, v12;
	v37 =	vshll.u32 v32, $0x10;
	v32 =	vand.u32 $0xFFFF0000, v32;
	v38 =	vld.idx.msk [tilespmem:v6+s2+$0x0], $0xffff  }
0x1fd: {  	v40 =	vshll.u32 v23, $0x10;
	v23 =	vand.u32 $0xFFFF0000, v23;
	v15 =	vmul.f32 v15, v0;
	v39 =	vld.idx.msk [tilespmem:v11+s13+$0x0], $0xffff  }
0x1fe: {  	s8 =	sadd.s32 $0x40, s8;
	v42 =	vshll.u32 v30, $0x10;
	v30 =	vand.u32 $0xFFFF0000, v30;
	v43 =	vshll.u32 v25, $0x10;
	v41 =	vld.idx.msk [tilespmem:v10+s5+$0x0], $0xffff  }
0x1ff: {  	v25 =	vand.u32 $0xFFFF0000, v25;
	v44 =	vshll.u32 v22, $0x10;
	v22 =	vand.u32 $0xFFFF0000, v22;
	v17 =	vld.idx.msk [tilespmem:v9+s13+$0x0], $0xffff;
	[tilespmem:s8+$0x10] =	vst v15  }
0x200: {  	v45 =	vshll.u32 v27, $0x10;
	v27 =	vand.u32 $0xFFFF0000, v27;
	v46 =	vshll.u32 v19, $0x10;
	v18 =	vld.idx.msk [tilespmem:v8+s5+$0x0], $0xffff  }
0x201: {  	v28 =	vmul.f32 v28, v20;
	v24 =	vmul.f32 v14, v24;
	v19 =	vand.u32 $0xFFFF0000, v19;
	v20 =	vld.idx.msk [tilespmem:v7+s13+$0x0], $0xffff  }
0x202: {  	v33 =	vmul.f32 v33, v21;
	v47 =	vmul.f32 v16, v13;
	v48 =	vshll.u32 v26, $0x10;
	v21 =	vld.idx.msk [tilespmem:v6+s5+$0x0], $0xffff  }
0x203: {  	v32 =	vmul.f32 v32, v12;
	v26 =	vand.u32 $0xFFFF0000, v26;
	v14 =	vld.idx.msk [tilespmem:v11+s6+$0x0], $0xffff;
	v11 =	vmul.f32 v37, v35  }
0x204: {  	v23 =	vmul.f32 v30, v23;
	v35 =	vshll.u32 v29, $0x10;
	v13 =	vld.idx.msk [tilespmem:v10+s9+$0x0], $0xffff;
	v10 =	vmul.f32 v42, v40  }
0x205: {  	v30 =	vmul.f32 v22, v25;
	v29 =	vand.u32 $0xFFFF0000, v29;
	v12 =	vld.idx.msk [tilespmem:v9+s6+$0x0], $0xffff;
	v9 =	vmul.f32 v44, v43  }
0x206: {  	v27 =	vmul.f32 v19, v27;
	v37 =	vshll.u32 v31, $0x10;
	v40 =	vmul.f32 v46, v45;
	v15 =	vld.idx.msk [tilespmem:v8+s9+$0x0], $0xffff  }
0x207: {  	v31 =	vand.u32 $0xFFFF0000, v31;
	v42 =	vshll.u32 v34, $0x10;
	v34 =	vand.u32 $0xFFFF0000, v34;
	v16 =	vld.idx.msk [tilespmem:v7+s6+$0x0], $0xffff  }
0x208: {  	v43 =	vshll.u32 v36, $0x10;
	v36 =	vand.u32 $0xFFFF0000, v36;
	v44 =	vshll.u32 v38, $0x10;
	v19 =	vld.idx.msk [tilespmem:v6+s9+$0x0], $0xffff  }
0x209: {  	v7 =	vadd.f32 v47, v24;
	v6 =	vadd.f32 v33, v28;
	v33 =	vand.u32 $0xFFFF0000, v38  }
.Ltmp1:
0x20a: {  	v22 =	vadd.f32 v23, v32;
	v25 =	vmul.f32 v35, v48;
	v8 =	vadd.f32 v10, v11;
	(pc) =	sbr.rel @p0 .LBB2_5-.Ltmp1, $4  }
0x20b: {  	v23 =	vadd.f32 v27, v30;
	v26 =	vmul.f32 v29, v26;
	v24 =	vadd.f32 v40, v9  }
0x20c: {  	v27 =	vmul.f32 v42, v37;
	v11 =	vshll.u32 v39, $0x10;
	v28 =	vmul.f32 v34, v31  }
0x20d: {  	v29 =	vand.u32 $0xFFFF0000, v39;
	v30 =	vmul.f32 v44, v43;
	v10 =	vmul.f32 v33, v36  }
0x20e: {  	s7 =	sadd.s32 $0x40, s7;
	v32 =	vshll.u32 v41, $0x10;
	v9 =	vshll.u32 v17, $0x10;
	v31 =	vand.u32 $0xFFFF0000, v41  }
0x20f: {  	v17 =	vand.u32 $0xFFFF0000, v17;
	v33 =	vshll.u32 v18, $0x10;
	v37 =	vand.u32 $0xFFFF0000, v18  }
0x210: {  	v34 =	vshll.u32 v20, $0x10;
	v38 =	vand.u32 $0xFFFF0000, v20;
	v35 =	vshll.u32 v21, $0x10  }
0x211: {  	v6 =	vadd.f32 v25, v6;
	v7 =	vadd.f32 v26, v7;
	v39 =	vand.u32 $0xFFFF0000, v21  }
0x212: {  	v11 =	vmul.f32 v32, v11;
	v8 =	vadd.f32 v27, v8;
	v22 =	vadd.f32 v28, v22  }
0x213: {  	v40 =	vmul.f32 v31, v29;
	v24 =	vadd.f32 v30, v24;
	v10 =	vadd.f32 v10, v23  }
0x214: {  	v42 =	vshll.u32 v14, $0x10;
	v43 =	vand.u32 $0xFFFF0000, v14;
	v44 =	vshll.u32 v13, $0x10  }
0x215: {  	v45 =	vand.u32 $0xFFFF0000, v13;
	v46 =	vshll.u32 v12, $0x10;
	v47 =	vand.u32 $0xFFFF0000, v12  }
0x216: {  	v48 =	vshll.u32 v15, $0x10;
	v49 =	vand.u32 $0xFFFF0000, v15;
	v50 =	vshll.u32 v16, $0x10  }
0x217: {  	v51 =	vand.u32 $0xFFFF0000, v16;
	v52 =	vshll.u32 v19, $0x10;
	v4 =	vmul.f32 v4, v0  }
0x218: {  	v53 =	vand.u32 $0xFFFF0000, v19;
	v9 =	vmul.f32 v33, v9;
	v17 =	vmul.f32 v37, v17  }
0x219: {  	v1 =	vadd.f32 v3, v1;
	v41 =	vmul.f32 v35, v34;
	v20 =	vmul.f32 v39, v38  }
0x21a: {  	v54 =	vmul.f32 v44, v42;
	v13 =	vmul.f32 v45, v43;
	v6 =	vadd.f32 v11, v6  }
0x21b: {  	v56 =	vmul.f32 v48, v46;
	v7 =	vadd.f32 v40, v7;
	v8 =	vadd.f32 v9, v8  }
0x21c: {  	v58 =	vmul.f32 v49, v47;
	v55 =	vadd.f32 v17, v22;
	v57 =	vadd.f32 v41, v24  }
0x21d: {  	v59 =	vmul.f32 v52, v50;
	v10 =	vadd.f32 v20, v10;
	v6 =	vadd.f32 v54, v6  }
0x21e: {  	v60 =	vmul.f32 v53, v51;
	v8 =	vadd.f32 v56, v8;
	v9 =	vadd.f32 v58, v55  }
0x21f: {  	v5 =	vmul.f32 v5, v0;
	v7 =	vadd.f32 v13, v7;
	v61 =	vadd.f32 v59, v57  }
0x220: {  	v2 =	vmul.f32 v2, v0;
	[tilespmem:s10+$0xFFFFFFE0] =	vst v4;
	v62 =	vadd.f32 v60, v10;
	v8 =	vadd.f32 v9, v8  }
0x221: {  	s12 =	sadd.s32 $0x1, s12;
	[tilespmem:s10+$0xFFFFFFF0] =	vst v5;
	v1 =	vmul.f32 v1, v0;
	v6 =	vadd.f32 v7, v6  }
0x222: {  	p0 =	sne.s32 s12, $0x10;
	[tilespmem:s1+$0x0] =	vst v2;
	v63 =	vadd.f32 v62, v61;
	v2 =	vmul.f32 v8, v0  }
.Ltmp2:
0x223: {  	[tilespmem:s10+$0x0] =	vst v1;
	v3 =	vmul.f32 v6, v0;
	(pc) =	sbr.rel @p0 .LBB2_2-.Ltmp2, $4  }
0x224: {  	s11 =	sshll.u32 s11, $0x9;
	[tilespmem:s8+$0xFFFFFFF0] =	vst v2;
	v2 =	vmul.f32 v63, v0  }
0x225: {  	s1 =	sand.u32 $0x1FFFFE00, s11;
	[tilespmem:s8+$0xFFFFFFE0] =	vst v3  }
0x226: {  	s4 =	simm.s32 $0x3900;
	s1 =	sadd.s32 s28, s1;
	[tilespmem:s8+$0x0] =	vst v2  }
0x227: {  	[hbm4b:s1+s3] =	stream.linear.scatter [tilespmem:s4], [sflag:$0x4], $0x1000, $0x38;
	[tilespmem:$0x4910] =	vst v63  }
0x228: {  	s1 =	simm.s32 $0x3  }
0x229: {  	_ =	swait.ge [sflag:s1], $0x1000  }
0x22a: {  	[sflag:s1] =	ssyncset.done $0x0  }
0x22b: {  	s4 =	simm.s32 $0x4;
	[sflag:s1] =	ssyncadd.s32 $0xFFFFF000  }
0x22c: {  	_ =	swait.ge [sflag:s4], $0x1000  }
0x22d: {  	s7 =	rddreg [dreg:$0xa]  }
0x22e: {  	s12 =	rddreg [dreg:$0x9];
	s7 =	sadd.s32 $0x1, s7  }
0x22f: {  	p0 =	sne.s32 s7, s12  }
.Ltmp3:
0x230: {  	_ = 	snop;
	(pc) =	sbr.rel @p0 .LBB2_1-.Ltmp3, $3  }
0x231: {  	_ =	sdelay $0x1  }
0x232: {  	[sflag:s4] =	ssyncset.done $0x0  }
0x233: {  	[sflag:s4] =	ssyncadd.s32 $0xFFFFF000  }
0x234: {  	_ =	sfence.sel $0x180000  }
0x235: {  	[bflag:$0x0] =	sbarrier.arrive $0xFFFF  }
0x236: {  	_ =	strace $0x90000047  }
0x237: {  	s0 =	stileid.u32;
	[bflag:$0x2] =	sbarrier.arrive $0xFFFF  }
0x238: {  	p0 =	sne.s32 s0, $0x0;
	s0 =	rddreg [dreg:$0x2]  }
0x239: {  	s0 =	sadd.s32 @!p0 $0x100000, s0  }
0x23a: {  	[sflag:s0] =	ssyncadd.tile.s32 @!p0 $0x1;
	_ =	shalt  }
.Lfunc_end2:
_tile_overlayer_lowered:
.L_overlay_start_2:
0x23b: {  	(tag) =	ssettag $0x2  }
0x23c: {  	s0 =	rddreg [dreg:$0x0];
	s2 =	stileid.u32  }
0x23d: {  	s1 =	rddreg [dreg:$0x1];
	p0 =	sne.s32 s2, $0x0  }
0x23e: {  	s3 =	rddreg [dreg:$0x2];
	[bflag:$0x3] =	sbarrier.arrive $0xFFFF;
	s2 =	simm.s32 @!p0 $0x1C05  }
0x23f: {  	[timem:s3], [sflag:s2] =	dma.local @!p0 [hbm:s0], s1  }
0x240: {  	s0 =	simm.s32 @!p0 $0x5  }
0x241: {  	_ =	swait.ge @!p0 [sflag:s0], s1  }
0x242: {  	s1 =	ssub.s32 @!p0 $0x0, s1;
	[sflag:s0] =	ssyncset.done @!p0 $0x0  }
0x243: {  	[sflag:s0] =	ssyncadd.s32 @!p0 s1  }
0x244: {  	[bflag:$0x3] =	sbarrier.arrive $0xFFFF  }
0x245: {  	_ =	shalt  }

</sc_bundles>
